<compile_context>
chip_gen: v7x
topology: tpu7x:2x2x1
jax: 0.10.2.dev20260603
libtpu: 0.0.44.dev20260713+nightly
codegen_flags: <defaults>
</compile_context>

<pallas_src>
import functools

import jax
import jax.numpy as jnp
from jax import lax
from jax.experimental import pallas as pl
from jax.experimental.pallas import tpu as pltpu
from jax.experimental.pallas import tpu_sc as plsc

NC = 2
NS = 16
NW = NC * NS

R = 128
NBUF = 8
DEPTH = 4


@functools.partial(jax.jit, static_argnums=(2, 3))
def _sc_gather(idx, table, n, d):
    rows_per_worker = n // NW
    phases = rows_per_worker // R
    outer = phases // NBUF
    assert n % (NW * R) == 0 and phases % NBUF == 0 and outer >= 2
    mesh = plsc.VectorSubcoreMesh(
        core_axis_name="c", subcore_axis_name="s",
        num_cores=NC, num_subcores=NS)

    @functools.partial(
        pl.kernel,
        out_type=jax.ShapeDtypeStruct((n, d), jnp.float32),
        mesh=mesh,
        scratch_types=[
            pltpu.VMEM((NBUF, R), jnp.int32),
            pltpu.VMEM((NBUF, R, d), jnp.float32),
            pltpu.VMEM_SHARED((48, 64), jnp.float32),
        ] + [pltpu.SemaphoreType.DMA] * (3 * NBUF),
        compiler_params=pltpu.CompilerParams(use_tc_tiling_on_sc=False),
    )
    def k(idx_hbm, table_hbm, out_hbm, idx_v, rows_v, table_sh, *all_sems):
        semi = all_sems[0:NBUF]
        semg = all_sems[NBUF:2 * NBUF]
        sems = all_sems[2 * NBUF:3 * NBUF]
        wid = lax.axis_index("s") * NC + lax.axis_index("c")
        wbase = wid * rows_per_worker

        def start_idx(p, slot):
            pltpu.async_copy(
                idx_hbm.at[pl.ds(wbase + p * R, R)], idx_v.at[slot],
                semi[slot])

        def wait_idx(slot):
            pltpu.make_async_copy(
                idx_hbm.at[pl.ds(wbase, R)], idx_v.at[slot],
                semi[slot]).wait()

        def start_gather(slot):
            pltpu.async_copy(
                table_sh.at[idx_v.at[slot]], rows_v.at[slot],
                semg[slot])

        def drain_gather(slot):
            pltpu.make_async_copy(
                out_hbm.at[pl.ds(wbase, R)], rows_v.at[slot],
                semg[slot]).wait()

        def start_store(p, slot):
            pltpu.async_copy(
                rows_v.at[slot], out_hbm.at[pl.ds(wbase + p * R, R)],
                sems[slot])

        def wait_store(slot):
            pltpu.make_async_copy(
                rows_v.at[slot], out_hbm.at[pl.ds(wbase, R)],
                sems[slot]).wait()

        @pl.when(lax.axis_index("s") == 0)
        def _():
            pltpu.sync_copy(table_hbm, table_sh)
        plsc.subcore_barrier()

        for i in range(NBUF):
            start_idx(i, i)

        def body(g, carry):
            for i in range(NBUF):
                p = g * NBUF + i
                jslot = (i + DEPTH) % NBUF

                @pl.when(g > 0)
                def _():
                    wait_store(i)

                wait_idx(i)
                start_gather(i)

                if i >= DEPTH:
                    drain_gather(jslot)
                    start_store(p - DEPTH, jslot)
                    @pl.when(g < outer - 1)
                    def _():
                        start_idx(p + DEPTH, jslot)
                else:
                    @pl.when(g > 0)
                    def _():
                        drain_gather(jslot)
                        start_store(p - DEPTH, jslot)
                        start_idx(p + DEPTH, jslot)
            return carry

        lax.fori_loop(0, outer, body, 0, unroll=False)

        last = outer * NBUF
        for i in range(DEPTH):
            slot = (i + DEPTH) % NBUF
            drain_gather(slot)
            start_store(last - DEPTH + i, slot)
        for i in range(NBUF):
            wait_store(i)

    return k(idx, table)


def kernel(timedelta, table):
    b, h = timedelta.shape
    v, d = table.shape
    n = b * h
    idx = timedelta.astype(jnp.int32).reshape(n)
    out = _sc_gather(idx, table, n, d)
    return out.reshape(b, h, d)

# --- scband reference (transcript-rebuilt; emitter-appended) ---
"""Pipeline reference for scband-timedelta-embedding-model-6219112644725 (READ-ONLY COPY).

The authoritative reference and input builder live on the scoring server;
editing this copy changes nothing except your own understanding.
"""

import jax, jax.numpy as jnp
import numpy as np

EMBED_SIZE = 64
NUM_EMBEDDINGS = 48
BATCH = 16384
HIST = 200


def setup_inputs(seed: int = 0) -> dict:
    key = jax.random.key(seed)
    k_idx, k_tab = jax.random.split(key)
    timedelta = jax.random.randint(k_idx, (BATCH, HIST), 0, NUM_EMBEDDINGS, dtype=jnp.int64 if jax.config.jax_enable_x64 else jnp.int32)
    table = jax.random.normal(k_tab, (NUM_EMBEDDINGS, EMBED_SIZE), dtype=jnp.float32)
    return {"timedelta": timedelta, "table": table}


def reference(timedelta, table):
    # nn.Embedding lookup -> gather rows of the table
    embed = jnp.take(table, timedelta, axis=0)
    return embed

if __name__ == "__main__":
    import jax
    _d = setup_inputs()
    print(jax.jit(kernel)(*tuple(_d.values())))

</pallas_src>

<mosaic_0001>
#map = affine_map<(d0, d1) -> (0)>
#map1 = affine_map<(d0, d1) -> (0, 0)>
module attributes {stable_mosaic.version = 14 : i64} {
  func.func @k(%arg0: i32, %arg1: i32, %arg2: memref<3276800xi32, #tpu.memory_space<hbm>>, %arg3: memref<48x64xf32, #tpu.memory_space<hbm>>, %arg4: memref<3276800x64xf32, #tpu.memory_space<hbm>>, %arg5: memref<8x128xi32, #tpu.memory_space<vmem>>, %arg6: memref<8x128x64xf32, #tpu.memory_space<vmem>>, %arg7: memref<48x64xf32, #tpu.memory_space<vmem_shared>>, %arg8: memref<!tpu.dma_semaphore, #tpu.memory_space<semaphore_mem>>, %arg9: memref<!tpu.dma_semaphore, #tpu.memory_space<semaphore_mem>>, %arg10: memref<!tpu.dma_semaphore, #tpu.memory_space<semaphore_mem>>, %arg11: memref<!tpu.dma_semaphore, #tpu.memory_space<semaphore_mem>>, %arg12: memref<!tpu.dma_semaphore, #tpu.memory_space<semaphore_mem>>, %arg13: memref<!tpu.dma_semaphore, #tpu.memory_space<semaphore_mem>>, %arg14: memref<!tpu.dma_semaphore, #tpu.memory_space<semaphore_mem>>, %arg15: memref<!tpu.dma_semaphore, #tpu.memory_space<semaphore_mem>>, %arg16: memref<!tpu.dma_semaphore, #tpu.memory_space<semaphore_mem>>, %arg17: memref<!tpu.dma_semaphore, #tpu.memory_space<semaphore_mem>>, %arg18: memref<!tpu.dma_semaphore, #tpu.memory_space<semaphore_mem>>, %arg19: memref<!tpu.dma_semaphore, #tpu.memory_space<semaphore_mem>>, %arg20: memref<!tpu.dma_semaphore, #tpu.memory_space<semaphore_mem>>, %arg21: memref<!tpu.dma_semaphore, #tpu.memory_space<semaphore_mem>>, %arg22: memref<!tpu.dma_semaphore, #tpu.memory_space<semaphore_mem>>, %arg23: memref<!tpu.dma_semaphore, #tpu.memory_space<semaphore_mem>>, %arg24: memref<!tpu.dma_semaphore, #tpu.memory_space<semaphore_mem>>, %arg25: memref<!tpu.dma_semaphore, #tpu.memory_space<semaphore_mem>>, %arg26: memref<!tpu.dma_semaphore, #tpu.memory_space<semaphore_mem>>, %arg27: memref<!tpu.dma_semaphore, #tpu.memory_space<semaphore_mem>>, %arg28: memref<!tpu.dma_semaphore, #tpu.memory_space<semaphore_mem>>, %arg29: memref<!tpu.dma_semaphore, #tpu.memory_space<semaphore_mem>>, %arg30: memref<!tpu.dma_semaphore, #tpu.memory_space<semaphore_mem>>, %arg31: memref<!tpu.dma_semaphore, #tpu.memory_space<semaphore_mem>>) attributes {dimension_semantics = [#tpu.dimension_semantics<core_parallel>, #tpu.dimension_semantics<subcore_parallel>], iteration_bounds = array<i64: 2, 16>, scalar_prefetch = 0 : i64, scratch_operands = 27 : i64, tpu.core_type = #tpu.core_type<sc_vector_subcore>, window_params = [{transform_indices = #map}, {transform_indices = #map1}, {transform_indices = #map1}]} {
    %mul3A = arith.constant 2 : i32
    %mul3A_0 = arith.muli %arg1, %mul3A : i32
    %add3A = arith.addi %mul3A_0, %arg0 : i32
    %mul3A_1 = arith.constant 102400 : i32
    %mul3A_2 = arith.muli %add3A, %mul3A_1 : i32
    %eq3A = arith.constant 0 : i32
    %eq3A_3 = arith.cmpi eq, %arg1, %eq3A : i32
    %convert_element_type3A = arith.extui %eq3A_3 : i1 to i32
    %cond3A = arith.constant 0 : i32
    %cond3A_4 = arith.cmpi ne, %convert_element_type3A, %cond3A : i32
    scf.if %cond3A_4 {
      "tpu.region"() ({
        %run_scoped3A = tpu.sem_alloc : memref<!tpu.dma_semaphore, #tpu.memory_space<semaphore_mem>>
        tpu.enqueue_dma source(%arg3 : memref<48x64xf32, #tpu.memory_space<hbm>>) target(%arg7 : memref<48x64xf32, #tpu.memory_space<vmem_shared>>) target_semaphore(%run_scoped3A : memref<!tpu.dma_semaphore, #tpu.memory_space<semaphore_mem>>)
        tpu.wait_dma2 semaphore(%run_scoped3A : memref<!tpu.dma_semaphore, #tpu.memory_space<semaphore_mem>>) src(%arg3 : memref<48x64xf32, #tpu.memory_space<hbm>>) dst(%arg7 : memref<48x64xf32, #tpu.memory_space<vmem_shared>>)
        tpu.yield
      }) : () -> ()
    } else {
    }
    %barrier3A = arith.constant 0 : index
    tpu.barrier barrier_id(%barrier3A)
    %add3A_5 = arith.constant 0 : i32
    %add3A_6 = arith.addi %mul3A_2, %add3A_5 : i32
    %dma_start3A = arith.constant 0 : i32
    %dma_start3A_7 = arith.constant 0 : i32
    %dma_start3A_8 = tpu.memref_slice %arg5[%dma_start3A, %dma_start3A_7] : memref<8x128xi32, #tpu.memory_space<vmem>> -> memref<1x128xi32, #tpu.memory_space<vmem>>
    %dma_start3A_9 = tpu.memref_squeeze %dma_start3A_8 : memref<1x128xi32, #tpu.memory_space<vmem>> -> memref<128xi32, #tpu.memory_space<vmem>>
    %dma_start3A_10 = tpu.memref_slice %arg2[%add3A_6] : memref<3276800xi32, #tpu.memory_space<hbm>> -> memref<128xi32, #tpu.memory_space<hbm>>
    %dma_start3A_11 = arith.constant 0 : i32
    %dma_start3A_12 = tpu.memref_slice %arg5[%dma_start3A, %dma_start3A_11] : memref<8x128xi32, #tpu.memory_space<vmem>> -> memref<1x128xi32, #tpu.memory_space<vmem>>
    %dma_start3A_13 = tpu.memref_squeeze %dma_start3A_12 : memref<1x128xi32, #tpu.memory_space<vmem>> -> memref<128xi32, #tpu.memory_space<vmem>>
    %dma_start3A_14 = tpu.memref_slice %arg2[%add3A_6] : memref<3276800xi32, #tpu.memory_space<hbm>> -> memref<128xi32, #tpu.memory_space<hbm>>
    tpu.enqueue_dma source(%dma_start3A_14 : memref<128xi32, #tpu.memory_space<hbm>>) target(%dma_start3A_13 : memref<128xi32, #tpu.memory_space<vmem>>) target_semaphore(%arg8 : memref<!tpu.dma_semaphore, #tpu.memory_space<semaphore_mem>>)
    %add3A_15 = arith.constant 128 : i32
    %add3A_16 = arith.addi %mul3A_2, %add3A_15 : i32
    %dma_start3A_17 = arith.constant 1 : i32
    %dma_start3A_18 = arith.constant 0 : i32
    %dma_start3A_19 = tpu.memref_slice %arg5[%dma_start3A_17, %dma_start3A_18] : memref<8x128xi32, #tpu.memory_space<vmem>> -> memref<1x128xi32, #tpu.memory_space<vmem>>
    %dma_start3A_20 = tpu.memref_squeeze %dma_start3A_19 : memref<1x128xi32, #tpu.memory_space<vmem>> -> memref<128xi32, #tpu.memory_space<vmem>>
    %dma_start3A_21 = tpu.memref_slice %arg2[%add3A_16] : memref<3276800xi32, #tpu.memory_space<hbm>> -> memref<128xi32, #tpu.memory_space<hbm>>
    %dma_start3A_22 = arith.constant 0 : i32
    %dma_start3A_23 = tpu.memref_slice %arg5[%dma_start3A_17, %dma_start3A_22] : memref<8x128xi32, #tpu.memory_space<vmem>> -> memref<1x128xi32, #tpu.memory_space<vmem>>
    %dma_start3A_24 = tpu.memref_squeeze %dma_start3A_23 : memref<1x128xi32, #tpu.memory_space<vmem>> -> memref<128xi32, #tpu.memory_space<vmem>>
    %dma_start3A_25 = tpu.memref_slice %arg2[%add3A_16] : memref<3276800xi32, #tpu.memory_space<hbm>> -> memref<128xi32, #tpu.memory_space<hbm>>
    tpu.enqueue_dma source(%dma_start3A_25 : memref<128xi32, #tpu.memory_space<hbm>>) target(%dma_start3A_24 : memref<128xi32, #tpu.memory_space<vmem>>) target_semaphore(%arg9 : memref<!tpu.dma_semaphore, #tpu.memory_space<semaphore_mem>>)
    %add3A_26 = arith.constant 256 : i32
    %add3A_27 = arith.addi %mul3A_2, %add3A_26 : i32
    %dma_start3A_28 = arith.constant 2 : i32
    %dma_start3A_29 = arith.constant 0 : i32
    %dma_start3A_30 = tpu.memref_slice %arg5[%dma_start3A_28, %dma_start3A_29] : memref<8x128xi32, #tpu.memory_space<vmem>> -> memref<1x128xi32, #tpu.memory_space<vmem>>
    %dma_start3A_31 = tpu.memref_squeeze %dma_start3A_30 : memref<1x128xi32, #tpu.memory_space<vmem>> -> memref<128xi32, #tpu.memory_space<vmem>>
    %dma_start3A_32 = tpu.memref_slice %arg2[%add3A_27] : memref<3276800xi32, #tpu.memory_space<hbm>> -> memref<128xi32, #tpu.memory_space<hbm>>
    %dma_start3A_33 = arith.constant 0 : i32
    %dma_start3A_34 = tpu.memref_slice %arg5[%dma_start3A_28, %dma_start3A_33] : memref<8x128xi32, #tpu.memory_space<vmem>> -> memref<1x128xi32, #tpu.memory_space<vmem>>
    %dma_start3A_35 = tpu.memref_squeeze %dma_start3A_34 : memref<1x128xi32, #tpu.memory_space<vmem>> -> memref<128xi32, #tpu.memory_space<vmem>>
    %dma_start3A_36 = tpu.memref_slice %arg2[%add3A_27] : memref<3276800xi32, #tpu.memory_space<hbm>> -> memref<128xi32, #tpu.memory_space<hbm>>
    tpu.enqueue_dma source(%dma_start3A_36 : memref<128xi32, #tpu.memory_space<hbm>>) target(%dma_start3A_35 : memref<128xi32, #tpu.memory_space<vmem>>) target_semaphore(%arg10 : memref<!tpu.dma_semaphore, #tpu.memory_space<semaphore_mem>>)
    %add3A_37 = arith.constant 384 : i32
    %add3A_38 = arith.addi %mul3A_2, %add3A_37 : i32
    %dma_start3A_39 = arith.constant 3 : i32
    %dma_start3A_40 = arith.constant 0 : i32
    %dma_start3A_41 = tpu.memref_slice %arg5[%dma_start3A_39, %dma_start3A_40] : memref<8x128xi32, #tpu.memory_space<vmem>> -> memref<1x128xi32, #tpu.memory_space<vmem>>
    %dma_start3A_42 = tpu.memref_squeeze %dma_start3A_41 : memref<1x128xi32, #tpu.memory_space<vmem>> -> memref<128xi32, #tpu.memory_space<vmem>>
    %dma_start3A_43 = tpu.memref_slice %arg2[%add3A_38] : memref<3276800xi32, #tpu.memory_space<hbm>> -> memref<128xi32, #tpu.memory_space<hbm>>
    %dma_start3A_44 = arith.constant 0 : i32
    %dma_start3A_45 = tpu.memref_slice %arg5[%dma_start3A_39, %dma_start3A_44] : memref<8x128xi32, #tpu.memory_space<vmem>> -> memref<1x128xi32, #tpu.memory_space<vmem>>
    %dma_start3A_46 = tpu.memref_squeeze %dma_start3A_45 : memref<1x128xi32, #tpu.memory_space<vmem>> -> memref<128xi32, #tpu.memory_space<vmem>>
    %dma_start3A_47 = tpu.memref_slice %arg2[%add3A_38] : memref<3276800xi32, #tpu.memory_space<hbm>> -> memref<128xi32, #tpu.memory_space<hbm>>
    tpu.enqueue_dma source(%dma_start3A_47 : memref<128xi32, #tpu.memory_space<hbm>>) target(%dma_start3A_46 : memref<128xi32, #tpu.memory_space<vmem>>) target_semaphore(%arg11 : memref<!tpu.dma_semaphore, #tpu.memory_space<semaphore_mem>>)
    %add3A_48 = arith.constant 512 : i32
    %add3A_49 = arith.addi %mul3A_2, %add3A_48 : i32
    %dma_start3A_50 = arith.constant 4 : i32
    %dma_start3A_51 = arith.constant 0 : i32
    %dma_start3A_52 = tpu.memref_slice %arg5[%dma_start3A_50, %dma_start3A_51] : memref<8x128xi32, #tpu.memory_space<vmem>> -> memref<1x128xi32, #tpu.memory_space<vmem>>
    %dma_start3A_53 = tpu.memref_squeeze %dma_start3A_52 : memref<1x128xi32, #tpu.memory_space<vmem>> -> memref<128xi32, #tpu.memory_space<vmem>>
    %dma_start3A_54 = tpu.memref_slice %arg2[%add3A_49] : memref<3276800xi32, #tpu.memory_space<hbm>> -> memref<128xi32, #tpu.memory_space<hbm>>
    %dma_start3A_55 = arith.constant 0 : i32
    %dma_start3A_56 = tpu.memref_slice %arg5[%dma_start3A_50, %dma_start3A_55] : memref<8x128xi32, #tpu.memory_space<vmem>> -> memref<1x128xi32, #tpu.memory_space<vmem>>
    %dma_start3A_57 = tpu.memref_squeeze %dma_start3A_56 : memref<1x128xi32, #tpu.memory_space<vmem>> -> memref<128xi32, #tpu.memory_space<vmem>>
    %dma_start3A_58 = tpu.memref_slice %arg2[%add3A_49] : memref<3276800xi32, #tpu.memory_space<hbm>> -> memref<128xi32, #tpu.memory_space<hbm>>
    tpu.enqueue_dma source(%dma_start3A_58 : memref<128xi32, #tpu.memory_space<hbm>>) target(%dma_start3A_57 : memref<128xi32, #tpu.memory_space<vmem>>) target_semaphore(%arg12 : memref<!tpu.dma_semaphore, #tpu.memory_space<semaphore_mem>>)
    %add3A_59 = arith.constant 640 : i32
    %add3A_60 = arith.addi %mul3A_2, %add3A_59 : i32
    %dma_start3A_61 = arith.constant 5 : i32
    %dma_start3A_62 = arith.constant 0 : i32
    %dma_start3A_63 = tpu.memref_slice %arg5[%dma_start3A_61, %dma_start3A_62] : memref<8x128xi32, #tpu.memory_space<vmem>> -> memref<1x128xi32, #tpu.memory_space<vmem>>
    %dma_start3A_64 = tpu.memref_squeeze %dma_start3A_63 : memref<1x128xi32, #tpu.memory_space<vmem>> -> memref<128xi32, #tpu.memory_space<vmem>>
    %dma_start3A_65 = tpu.memref_slice %arg2[%add3A_60] : memref<3276800xi32, #tpu.memory_space<hbm>> -> memref<128xi32, #tpu.memory_space<hbm>>
    %dma_start3A_66 = arith.constant 0 : i32
    %dma_start3A_67 = tpu.memref_slice %arg5[%dma_start3A_61, %dma_start3A_66] : memref<8x128xi32, #tpu.memory_space<vmem>> -> memref<1x128xi32, #tpu.memory_space<vmem>>
    %dma_start3A_68 = tpu.memref_squeeze %dma_start3A_67 : memref<1x128xi32, #tpu.memory_space<vmem>> -> memref<128xi32, #tpu.memory_space<vmem>>
    %dma_start3A_69 = tpu.memref_slice %arg2[%add3A_60] : memref<3276800xi32, #tpu.memory_space<hbm>> -> memref<128xi32, #tpu.memory_space<hbm>>
    tpu.enqueue_dma source(%dma_start3A_69 : memref<128xi32, #tpu.memory_space<hbm>>) target(%dma_start3A_68 : memref<128xi32, #tpu.memory_space<vmem>>) target_semaphore(%arg13 : memref<!tpu.dma_semaphore, #tpu.memory_space<semaphore_mem>>)
    %add3A_70 = arith.constant 768 : i32
    %add3A_71 = arith.addi %mul3A_2, %add3A_70 : i32
    %dma_start3A_72 = arith.constant 6 : i32
    %dma_start3A_73 = arith.constant 0 : i32
    %dma_start3A_74 = tpu.memref_slice %arg5[%dma_start3A_72, %dma_start3A_73] : memref<8x128xi32, #tpu.memory_space<vmem>> -> memref<1x128xi32, #tpu.memory_space<vmem>>
    %dma_start3A_75 = tpu.memref_squeeze %dma_start3A_74 : memref<1x128xi32, #tpu.memory_space<vmem>> -> memref<128xi32, #tpu.memory_space<vmem>>
    %dma_start3A_76 = tpu.memref_slice %arg2[%add3A_71] : memref<3276800xi32, #tpu.memory_space<hbm>> -> memref<128xi32, #tpu.memory_space<hbm>>
    %dma_start3A_77 = arith.constant 0 : i32
    %dma_start3A_78 = tpu.memref_slice %arg5[%dma_start3A_72, %dma_start3A_77] : memref<8x128xi32, #tpu.memory_space<vmem>> -> memref<1x128xi32, #tpu.memory_space<vmem>>
    %dma_start3A_79 = tpu.memref_squeeze %dma_start3A_78 : memref<1x128xi32, #tpu.memory_space<vmem>> -> memref<128xi32, #tpu.memory_space<vmem>>
    %dma_start3A_80 = tpu.memref_slice %arg2[%add3A_71] : memref<3276800xi32, #tpu.memory_space<hbm>> -> memref<128xi32, #tpu.memory_space<hbm>>
    tpu.enqueue_dma source(%dma_start3A_80 : memref<128xi32, #tpu.memory_space<hbm>>) target(%dma_start3A_79 : memref<128xi32, #tpu.memory_space<vmem>>) target_semaphore(%arg14 : memref<!tpu.dma_semaphore, #tpu.memory_space<semaphore_mem>>)
    %add3A_81 = arith.constant 896 : i32
    %add3A_82 = arith.addi %mul3A_2, %add3A_81 : i32
    %dma_start3A_83 = arith.constant 7 : i32
    %dma_start3A_84 = arith.constant 0 : i32
    %dma_start3A_85 = tpu.memref_slice %arg5[%dma_start3A_83, %dma_start3A_84] : memref<8x128xi32, #tpu.memory_space<vmem>> -> memref<1x128xi32, #tpu.memory_space<vmem>>
    %dma_start3A_86 = tpu.memref_squeeze %dma_start3A_85 : memref<1x128xi32, #tpu.memory_space<vmem>> -> memref<128xi32, #tpu.memory_space<vmem>>
    %dma_start3A_87 = tpu.memref_slice %arg2[%add3A_82] : memref<3276800xi32, #tpu.memory_space<hbm>> -> memref<128xi32, #tpu.memory_space<hbm>>
    %dma_start3A_88 = arith.constant 0 : i32
    %dma_start3A_89 = tpu.memref_slice %arg5[%dma_start3A_83, %dma_start3A_88] : memref<8x128xi32, #tpu.memory_space<vmem>> -> memref<1x128xi32, #tpu.memory_space<vmem>>
    %dma_start3A_90 = tpu.memref_squeeze %dma_start3A_89 : memref<1x128xi32, #tpu.memory_space<vmem>> -> memref<128xi32, #tpu.memory_space<vmem>>
    %dma_start3A_91 = tpu.memref_slice %arg2[%add3A_82] : memref<3276800xi32, #tpu.memory_space<hbm>> -> memref<128xi32, #tpu.memory_space<hbm>>
    tpu.enqueue_dma source(%dma_start3A_91 : memref<128xi32, #tpu.memory_space<hbm>>) target(%dma_start3A_90 : memref<128xi32, #tpu.memory_space<vmem>>) target_semaphore(%arg15 : memref<!tpu.dma_semaphore, #tpu.memory_space<semaphore_mem>>)
    %scan3A = arith.constant 0 : i32
    %scan3A_92 = arith.constant 0 : i32
    %scan3A_93 = arith.constant 100 : i32
    %scan3A_94 = arith.addi %scan3A_92, %scan3A_93 : i32
    %scan3A_95 = arith.constant 1 : i32
    scf.for %scan3A_312 = %scan3A_92 to %scan3A_94 step %scan3A_95  : i32 {
      %mul3A_313 = arith.constant 8 : i32
      %mul3A_314 = arith.muli %scan3A_312, %mul3A_313 : i32
      %add3A_315 = arith.constant 0 : i32
      %add3A_316 = arith.addi %mul3A_314, %add3A_315 : i32
      %gt3A = arith.constant 0 : i32
      %gt3A_317 = arith.cmpi sgt, %scan3A_312, %gt3A : i32
      %convert_element_type3A_318 = arith.extui %gt3A_317 : i1 to i32
      %cond3A_319 = arith.constant 0 : i32
      %cond3A_320 = arith.cmpi ne, %convert_element_type3A_318, %cond3A_319 : i32
      scf.if %cond3A_320 {
        %dma_wait3A_714 = arith.constant 0 : i32
        %dma_wait3A_715 = arith.constant 0 : i32
        %dma_wait3A_716 = arith.constant 0 : i32
        %dma_wait3A_717 = tpu.memref_slice %arg6[%dma_wait3A_714, %dma_wait3A_715, %dma_wait3A_716] : memref<8x128x64xf32, #tpu.memory_space<vmem>> -> memref<1x128x64xf32, #tpu.memory_space<vmem>>
        %dma_wait3A_718 = tpu.memref_squeeze %dma_wait3A_717 : memref<1x128x64xf32, #tpu.memory_space<vmem>> -> memref<128x64xf32, #tpu.memory_space<vmem>>
        %dma_wait3A_719 = arith.constant 0 : i32
        %dma_wait3A_720 = tpu.memref_slice %arg4[%mul3A_2, %dma_wait3A_719] : memref<3276800x64xf32, #tpu.memory_space<hbm>> -> memref<128x64xf32, #tpu.memory_space<hbm>>
        %dma_wait3A_721 = arith.constant 0 : i32
        %dma_wait3A_722 = tpu.memref_slice %arg4[%mul3A_2, %dma_wait3A_721] : memref<3276800x64xf32, #tpu.memory_space<hbm>> -> memref<128x64xf32, #tpu.memory_space<hbm>>
        %dma_wait3A_723 = arith.constant 0 : i32
        %dma_wait3A_724 = arith.constant 0 : i32
        %dma_wait3A_725 = tpu.memref_slice %arg6[%dma_wait3A_714, %dma_wait3A_723, %dma_wait3A_724] : memref<8x128x64xf32, #tpu.memory_space<vmem>> -> memref<1x128x64xf32, #tpu.memory_space<vmem>>
        %dma_wait3A_726 = tpu.memref_squeeze %dma_wait3A_725 : memref<1x128x64xf32, #tpu.memory_space<vmem>> -> memref<128x64xf32, #tpu.memory_space<vmem>>
        tpu.wait_dma2 semaphore(%arg24 : memref<!tpu.dma_semaphore, #tpu.memory_space<semaphore_mem>>) src(%dma_wait3A_726 : memref<128x64xf32, #tpu.memory_space<vmem>>) dst(%dma_wait3A_722 : memref<128x64xf32, #tpu.memory_space<hbm>>)
      } else {
      }
      %dma_wait3A_321 = arith.constant 0 : i32
      %dma_wait3A_322 = arith.constant 0 : i32
      %dma_wait3A_323 = tpu.memref_slice %arg5[%dma_wait3A_321, %dma_wait3A_322] : memref<8x128xi32, #tpu.memory_space<vmem>> -> memref<1x128xi32, #tpu.memory_space<vmem>>
      %dma_wait3A_324 = tpu.memref_squeeze %dma_wait3A_323 : memref<1x128xi32, #tpu.memory_space<vmem>> -> memref<128xi32, #tpu.memory_space<vmem>>
      %dma_wait3A_325 = tpu.memref_slice %arg2[%mul3A_2] : memref<3276800xi32, #tpu.memory_space<hbm>> -> memref<128xi32, #tpu.memory_space<hbm>>
      %dma_wait3A_326 = arith.constant 0 : i32
      %dma_wait3A_327 = tpu.memref_slice %arg5[%dma_wait3A_321, %dma_wait3A_326] : memref<8x128xi32, #tpu.memory_space<vmem>> -> memref<1x128xi32, #tpu.memory_space<vmem>>
      %dma_wait3A_328 = tpu.memref_squeeze %dma_wait3A_327 : memref<1x128xi32, #tpu.memory_space<vmem>> -> memref<128xi32, #tpu.memory_space<vmem>>
      %dma_wait3A_329 = tpu.memref_slice %arg2[%mul3A_2] : memref<3276800xi32, #tpu.memory_space<hbm>> -> memref<128xi32, #tpu.memory_space<hbm>>
      tpu.wait_dma2 semaphore(%arg8 : memref<!tpu.dma_semaphore, #tpu.memory_space<semaphore_mem>>) src(%dma_wait3A_329 : memref<128xi32, #tpu.memory_space<hbm>>) dst(%dma_wait3A_328 : memref<128xi32, #tpu.memory_space<vmem>>)
      %dma_start3A_330 = arith.constant 0 : i32
      %dma_start3A_331 = arith.constant 0 : i32
      %dma_start3A_332 = arith.constant 0 : i32
      %dma_start3A_333 = arith.constant 0 : i32
      %dma_start3A_334 = tpu.memref_slice %arg6[%dma_start3A_331, %dma_start3A_332, %dma_start3A_333] : memref<8x128x64xf32, #tpu.memory_space<vmem>> -> memref<1x128x64xf32, #tpu.memory_space<vmem>>
      %dma_start3A_335 = tpu.memref_squeeze %dma_start3A_334 : memref<1x128x64xf32, #tpu.memory_space<vmem>> -> memref<128x64xf32, #tpu.memory_space<vmem>>
      %dma_start3A_336 = arith.constant 0 : i32
      %dma_start3A_337 = tpu.memref_slice %arg5[%dma_start3A_330, %dma_start3A_336] : memref<8x128xi32, #tpu.memory_space<vmem>> -> memref<1x128xi32, #tpu.memory_space<vmem>>
      %dma_start3A_338 = tpu.memref_squeeze %dma_start3A_337 : memref<1x128xi32, #tpu.memory_space<vmem>> -> memref<128xi32, #tpu.memory_space<vmem>>
      %dma_start3A_339 = arith.constant 0 : i32
      %dma_start3A_340 = arith.constant 0 : i32
      %dma_start3A_341 = tpu.memref_slice %arg7[%dma_start3A_339, %dma_start3A_340] : memref<48x64xf32, #tpu.memory_space<vmem_shared>> -> memref<48x64xf32, #tpu.memory_space<vmem_shared>>
      tpu.enqueue_indirect_dma source(%dma_start3A_341 : memref<48x64xf32, #tpu.memory_space<vmem_shared>>) target(%dma_start3A_335 : memref<128x64xf32, #tpu.memory_space<vmem>>) offsets(%dma_start3A_338 : memref<128xi32, #tpu.memory_space<vmem>>) semaphore(%arg16 : memref<!tpu.dma_semaphore, #tpu.memory_space<semaphore_mem>>)
      %gt3A_342 = arith.constant 0 : i32
      %gt3A_343 = arith.cmpi sgt, %scan3A_312, %gt3A_342 : i32
      %convert_element_type3A_344 = arith.extui %gt3A_343 : i1 to i32
      %cond3A_345 = arith.constant 0 : i32
      %cond3A_346 = arith.cmpi ne, %convert_element_type3A_344, %cond3A_345 : i32
      scf.if %cond3A_346 {
        %dma_wait3A_714 = arith.constant 4 : i32
        %dma_wait3A_715 = arith.constant 0 : i32
        %dma_wait3A_716 = arith.constant 0 : i32
        %dma_wait3A_717 = tpu.memref_slice %arg6[%dma_wait3A_714, %dma_wait3A_715, %dma_wait3A_716] : memref<8x128x64xf32, #tpu.memory_space<vmem>> -> memref<1x128x64xf32, #tpu.memory_space<vmem>>
        %dma_wait3A_718 = tpu.memref_squeeze %dma_wait3A_717 : memref<1x128x64xf32, #tpu.memory_space<vmem>> -> memref<128x64xf32, #tpu.memory_space<vmem>>
        %dma_wait3A_719 = arith.constant 0 : i32
        %dma_wait3A_720 = tpu.memref_slice %arg4[%mul3A_2, %dma_wait3A_719] : memref<3276800x64xf32, #tpu.memory_space<hbm>> -> memref<128x64xf32, #tpu.memory_space<hbm>>
        %dma_wait3A_721 = arith.constant 0 : i32
        %dma_wait3A_722 = arith.constant 0 : i32
        %dma_wait3A_723 = tpu.memref_slice %arg6[%dma_wait3A_714, %dma_wait3A_721, %dma_wait3A_722] : memref<8x128x64xf32, #tpu.memory_space<vmem>> -> memref<1x128x64xf32, #tpu.memory_space<vmem>>
        %dma_wait3A_724 = tpu.memref_squeeze %dma_wait3A_723 : memref<1x128x64xf32, #tpu.memory_space<vmem>> -> memref<128x64xf32, #tpu.memory_space<vmem>>
        %dma_wait3A_725 = arith.constant 0 : i32
        %dma_wait3A_726 = tpu.memref_slice %arg4[%mul3A_2, %dma_wait3A_725] : memref<3276800x64xf32, #tpu.memory_space<hbm>> -> memref<128x64xf32, #tpu.memory_space<hbm>>
        tpu.wait_dma2 semaphore(%arg20 : memref<!tpu.dma_semaphore, #tpu.memory_space<semaphore_mem>>) src(%dma_wait3A_726 : memref<128x64xf32, #tpu.memory_space<hbm>>) dst(%dma_wait3A_724 : memref<128x64xf32, #tpu.memory_space<vmem>>)
        %sub3A_727 = arith.constant 4 : i32
        %sub3A_728 = arith.subi %add3A_316, %sub3A_727 : i32
        %mul3A_729 = arith.constant 128 : i32
        %mul3A_730 = arith.muli %sub3A_728, %mul3A_729 : i32
        %add3A_731 = arith.addi %mul3A_2, %mul3A_730 : i32
        %dma_start3A_732 = arith.constant 4 : i32
        %dma_start3A_733 = arith.constant 0 : i32
        %dma_start3A_734 = arith.constant 0 : i32
        %dma_start3A_735 = tpu.memref_slice %arg6[%dma_start3A_732, %dma_start3A_733, %dma_start3A_734] : memref<8x128x64xf32, #tpu.memory_space<vmem>> -> memref<1x128x64xf32, #tpu.memory_space<vmem>>
        %dma_start3A_736 = tpu.memref_squeeze %dma_start3A_735 : memref<1x128x64xf32, #tpu.memory_space<vmem>> -> memref<128x64xf32, #tpu.memory_space<vmem>>
        %dma_start3A_737 = arith.constant 0 : i32
        %dma_start3A_738 = tpu.memref_slice %arg4[%add3A_731, %dma_start3A_737] : memref<3276800x64xf32, #tpu.memory_space<hbm>> -> memref<128x64xf32, #tpu.memory_space<hbm>>
        %dma_start3A_739 = arith.constant 0 : i32
        %dma_start3A_740 = tpu.memref_slice %arg4[%add3A_731, %dma_start3A_739] : memref<3276800x64xf32, #tpu.memory_space<hbm>> -> memref<128x64xf32, #tpu.memory_space<hbm>>
        %dma_start3A_741 = arith.constant 0 : i32
        %dma_start3A_742 = arith.constant 0 : i32
        %dma_start3A_743 = tpu.memref_slice %arg6[%dma_start3A_732, %dma_start3A_741, %dma_start3A_742] : memref<8x128x64xf32, #tpu.memory_space<vmem>> -> memref<1x128x64xf32, #tpu.memory_space<vmem>>
        %dma_start3A_744 = tpu.memref_squeeze %dma_start3A_743 : memref<1x128x64xf32, #tpu.memory_space<vmem>> -> memref<128x64xf32, #tpu.memory_space<vmem>>
        tpu.enqueue_dma source(%dma_start3A_744 : memref<128x64xf32, #tpu.memory_space<vmem>>) target(%dma_start3A_740 : memref<128x64xf32, #tpu.memory_space<hbm>>) target_semaphore(%arg28 : memref<!tpu.dma_semaphore, #tpu.memory_space<semaphore_mem>>)
        %add3A_745 = arith.constant 4 : i32
        %add3A_746 = arith.addi %add3A_316, %add3A_745 : i32
        %mul3A_747 = arith.constant 128 : i32
        %mul3A_748 = arith.muli %add3A_746, %mul3A_747 : i32
        %add3A_749 = arith.addi %mul3A_2, %mul3A_748 : i32
        %dma_start3A_750 = arith.constant 4 : i32
        %dma_start3A_751 = arith.constant 0 : i32
        %dma_start3A_752 = tpu.memref_slice %arg5[%dma_start3A_750, %dma_start3A_751] : memref<8x128xi32, #tpu.memory_space<vmem>> -> memref<1x128xi32, #tpu.memory_space<vmem>>
        %dma_start3A_753 = tpu.memref_squeeze %dma_start3A_752 : memref<1x128xi32, #tpu.memory_space<vmem>> -> memref<128xi32, #tpu.memory_space<vmem>>
        %dma_start3A_754 = tpu.memref_slice %arg2[%add3A_749] : memref<3276800xi32, #tpu.memory_space<hbm>> -> memref<128xi32, #tpu.memory_space<hbm>>
        %dma_start3A_755 = arith.constant 0 : i32
        %dma_start3A_756 = tpu.memref_slice %arg5[%dma_start3A_750, %dma_start3A_755] : memref<8x128xi32, #tpu.memory_space<vmem>> -> memref<1x128xi32, #tpu.memory_space<vmem>>
        %dma_start3A_757 = tpu.memref_squeeze %dma_start3A_756 : memref<1x128xi32, #tpu.memory_space<vmem>> -> memref<128xi32, #tpu.memory_space<vmem>>
        %dma_start3A_758 = tpu.memref_slice %arg2[%add3A_749] : memref<3276800xi32, #tpu.memory_space<hbm>> -> memref<128xi32, #tpu.memory_space<hbm>>
        tpu.enqueue_dma source(%dma_start3A_758 : memref<128xi32, #tpu.memory_space<hbm>>) target(%dma_start3A_757 : memref<128xi32, #tpu.memory_space<vmem>>) target_semaphore(%arg12 : memref<!tpu.dma_semaphore, #tpu.memory_space<semaphore_mem>>)
      } else {
      }
      %mul3A_347 = arith.constant 8 : i32
      %mul3A_348 = arith.muli %scan3A_312, %mul3A_347 : i32
      %add3A_349 = arith.constant 1 : i32
      %add3A_350 = arith.addi %mul3A_348, %add3A_349 : i32
      %gt3A_351 = arith.constant 0 : i32
      %gt3A_352 = arith.cmpi sgt, %scan3A_312, %gt3A_351 : i32
      %convert_element_type3A_353 = arith.extui %gt3A_352 : i1 to i32
      %cond3A_354 = arith.constant 0 : i32
      %cond3A_355 = arith.cmpi ne, %convert_element_type3A_353, %cond3A_354 : i32
      scf.if %cond3A_355 {
        %dma_wait3A_714 = arith.constant 1 : i32
        %dma_wait3A_715 = arith.constant 0 : i32
        %dma_wait3A_716 = arith.constant 0 : i32
        %dma_wait3A_717 = tpu.memref_slice %arg6[%dma_wait3A_714, %dma_wait3A_715, %dma_wait3A_716] : memref<8x128x64xf32, #tpu.memory_space<vmem>> -> memref<1x128x64xf32, #tpu.memory_space<vmem>>
        %dma_wait3A_718 = tpu.memref_squeeze %dma_wait3A_717 : memref<1x128x64xf32, #tpu.memory_space<vmem>> -> memref<128x64xf32, #tpu.memory_space<vmem>>
        %dma_wait3A_719 = arith.constant 0 : i32
        %dma_wait3A_720 = tpu.memref_slice %arg4[%mul3A_2, %dma_wait3A_719] : memref<3276800x64xf32, #tpu.memory_space<hbm>> -> memref<128x64xf32, #tpu.memory_space<hbm>>
        %dma_wait3A_721 = arith.constant 0 : i32
        %dma_wait3A_722 = tpu.memref_slice %arg4[%mul3A_2, %dma_wait3A_721] : memref<3276800x64xf32, #tpu.memory_space<hbm>> -> memref<128x64xf32, #tpu.memory_space<hbm>>
        %dma_wait3A_723 = arith.constant 0 : i32
        %dma_wait3A_724 = arith.constant 0 : i32
        %dma_wait3A_725 = tpu.memref_slice %arg6[%dma_wait3A_714, %dma_wait3A_723, %dma_wait3A_724] : memref<8x128x64xf32, #tpu.memory_space<vmem>> -> memref<1x128x64xf32, #tpu.memory_space<vmem>>
        %dma_wait3A_726 = tpu.memref_squeeze %dma_wait3A_725 : memref<1x128x64xf32, #tpu.memory_space<vmem>> -> memref<128x64xf32, #tpu.memory_space<vmem>>
        tpu.wait_dma2 semaphore(%arg25 : memref<!tpu.dma_semaphore, #tpu.memory_space<semaphore_mem>>) src(%dma_wait3A_726 : memref<128x64xf32, #tpu.memory_space<vmem>>) dst(%dma_wait3A_722 : memref<128x64xf32, #tpu.memory_space<hbm>>)
      } else {
      }
      %dma_wait3A_356 = arith.constant 1 : i32
      %dma_wait3A_357 = arith.constant 0 : i32
      %dma_wait3A_358 = tpu.memref_slice %arg5[%dma_wait3A_356, %dma_wait3A_357] : memref<8x128xi32, #tpu.memory_space<vmem>> -> memref<1x128xi32, #tpu.memory_space<vmem>>
      %dma_wait3A_359 = tpu.memref_squeeze %dma_wait3A_358 : memref<1x128xi32, #tpu.memory_space<vmem>> -> memref<128xi32, #tpu.memory_space<vmem>>
      %dma_wait3A_360 = tpu.memref_slice %arg2[%mul3A_2] : memref<3276800xi32, #tpu.memory_space<hbm>> -> memref<128xi32, #tpu.memory_space<hbm>>
      %dma_wait3A_361 = arith.constant 0 : i32
      %dma_wait3A_362 = tpu.memref_slice %arg5[%dma_wait3A_356, %dma_wait3A_361] : memref<8x128xi32, #tpu.memory_space<vmem>> -> memref<1x128xi32, #tpu.memory_space<vmem>>
      %dma_wait3A_363 = tpu.memref_squeeze %dma_wait3A_362 : memref<1x128xi32, #tpu.memory_space<vmem>> -> memref<128xi32, #tpu.memory_space<vmem>>
      %dma_wait3A_364 = tpu.memref_slice %arg2[%mul3A_2] : memref<3276800xi32, #tpu.memory_space<hbm>> -> memref<128xi32, #tpu.memory_space<hbm>>
      tpu.wait_dma2 semaphore(%arg9 : memref<!tpu.dma_semaphore, #tpu.memory_space<semaphore_mem>>) src(%dma_wait3A_364 : memref<128xi32, #tpu.memory_space<hbm>>) dst(%dma_wait3A_363 : memref<128xi32, #tpu.memory_space<vmem>>)
      %dma_start3A_365 = arith.constant 1 : i32
      %dma_start3A_366 = arith.constant 1 : i32
      %dma_start3A_367 = arith.constant 0 : i32
      %dma_start3A_368 = arith.constant 0 : i32
      %dma_start3A_369 = tpu.memref_slice %arg6[%dma_start3A_366, %dma_start3A_367, %dma_start3A_368] : memref<8x128x64xf32, #tpu.memory_space<vmem>> -> memref<1x128x64xf32, #tpu.memory_space<vmem>>
      %dma_start3A_370 = tpu.memref_squeeze %dma_start3A_369 : memref<1x128x64xf32, #tpu.memory_space<vmem>> -> memref<128x64xf32, #tpu.memory_space<vmem>>
      %dma_start3A_371 = arith.constant 0 : i32
      %dma_start3A_372 = tpu.memref_slice %arg5[%dma_start3A_365, %dma_start3A_371] : memref<8x128xi32, #tpu.memory_space<vmem>> -> memref<1x128xi32, #tpu.memory_space<vmem>>
      %dma_start3A_373 = tpu.memref_squeeze %dma_start3A_372 : memref<1x128xi32, #tpu.memory_space<vmem>> -> memref<128xi32, #tpu.memory_space<vmem>>
      %dma_start3A_374 = arith.constant 0 : i32
      %dma_start3A_375 = arith.constant 0 : i32
      %dma_start3A_376 = tpu.memref_slice %arg7[%dma_start3A_374, %dma_start3A_375] : memref<48x64xf32, #tpu.memory_space<vmem_shared>> -> memref<48x64xf32, #tpu.memory_space<vmem_shared>>
      tpu.enqueue_indirect_dma source(%dma_start3A_376 : memref<48x64xf32, #tpu.memory_space<vmem_shared>>) target(%dma_start3A_370 : memref<128x64xf32, #tpu.memory_space<vmem>>) offsets(%dma_start3A_373 : memref<128xi32, #tpu.memory_space<vmem>>) semaphore(%arg17 : memref<!tpu.dma_semaphore, #tpu.memory_space<semaphore_mem>>)
      %gt3A_377 = arith.constant 0 : i32
      %gt3A_378 = arith.cmpi sgt, %scan3A_312, %gt3A_377 : i32
      %convert_element_type3A_379 = arith.extui %gt3A_378 : i1 to i32
      %cond3A_380 = arith.constant 0 : i32
      %cond3A_381 = arith.cmpi ne, %convert_element_type3A_379, %cond3A_380 : i32
      scf.if %cond3A_381 {
        %dma_wait3A_714 = arith.constant 5 : i32
        %dma_wait3A_715 = arith.constant 0 : i32
        %dma_wait3A_716 = arith.constant 0 : i32
        %dma_wait3A_717 = tpu.memref_slice %arg6[%dma_wait3A_714, %dma_wait3A_715, %dma_wait3A_716] : memref<8x128x64xf32, #tpu.memory_space<vmem>> -> memref<1x128x64xf32, #tpu.memory_space<vmem>>
        %dma_wait3A_718 = tpu.memref_squeeze %dma_wait3A_717 : memref<1x128x64xf32, #tpu.memory_space<vmem>> -> memref<128x64xf32, #tpu.memory_space<vmem>>
        %dma_wait3A_719 = arith.constant 0 : i32
        %dma_wait3A_720 = tpu.memref_slice %arg4[%mul3A_2, %dma_wait3A_719] : memref<3276800x64xf32, #tpu.memory_space<hbm>> -> memref<128x64xf32, #tpu.memory_space<hbm>>
        %dma_wait3A_721 = arith.constant 0 : i32
        %dma_wait3A_722 = arith.constant 0 : i32
        %dma_wait3A_723 = tpu.memref_slice %arg6[%dma_wait3A_714, %dma_wait3A_721, %dma_wait3A_722] : memref<8x128x64xf32, #tpu.memory_space<vmem>> -> memref<1x128x64xf32, #tpu.memory_space<vmem>>
        %dma_wait3A_724 = tpu.memref_squeeze %dma_wait3A_723 : memref<1x128x64xf32, #tpu.memory_space<vmem>> -> memref<128x64xf32, #tpu.memory_space<vmem>>
        %dma_wait3A_725 = arith.constant 0 : i32
        %dma_wait3A_726 = tpu.memref_slice %arg4[%mul3A_2, %dma_wait3A_725] : memref<3276800x64xf32, #tpu.memory_space<hbm>> -> memref<128x64xf32, #tpu.memory_space<hbm>>
        tpu.wait_dma2 semaphore(%arg21 : memref<!tpu.dma_semaphore, #tpu.memory_space<semaphore_mem>>) src(%dma_wait3A_726 : memref<128x64xf32, #tpu.memory_space<hbm>>) dst(%dma_wait3A_724 : memref<128x64xf32, #tpu.memory_space<vmem>>)
        %sub3A_727 = arith.constant 4 : i32
        %sub3A_728 = arith.subi %add3A_350, %sub3A_727 : i32
        %mul3A_729 = arith.constant 128 : i32
        %mul3A_730 = arith.muli %sub3A_728, %mul3A_729 : i32
        %add3A_731 = arith.addi %mul3A_2, %mul3A_730 : i32
        %dma_start3A_732 = arith.constant 5 : i32
        %dma_start3A_733 = arith.constant 0 : i32
        %dma_start3A_734 = arith.constant 0 : i32
        %dma_start3A_735 = tpu.memref_slice %arg6[%dma_start3A_732, %dma_start3A_733, %dma_start3A_734] : memref<8x128x64xf32, #tpu.memory_space<vmem>> -> memref<1x128x64xf32, #tpu.memory_space<vmem>>
        %dma_start3A_736 = tpu.memref_squeeze %dma_start3A_735 : memref<1x128x64xf32, #tpu.memory_space<vmem>> -> memref<128x64xf32, #tpu.memory_space<vmem>>
        %dma_start3A_737 = arith.constant 0 : i32
        %dma_start3A_738 = tpu.memref_slice %arg4[%add3A_731, %dma_start3A_737] : memref<3276800x64xf32, #tpu.memory_space<hbm>> -> memref<128x64xf32, #tpu.memory_space<hbm>>
        %dma_start3A_739 = arith.constant 0 : i32
        %dma_start3A_740 = tpu.memref_slice %arg4[%add3A_731, %dma_start3A_739] : memref<3276800x64xf32, #tpu.memory_space<hbm>> -> memref<128x64xf32, #tpu.memory_space<hbm>>
        %dma_start3A_741 = arith.constant 0 : i32
        %dma_start3A_742 = arith.constant 0 : i32
        %dma_start3A_743 = tpu.memref_slice %arg6[%dma_start3A_732, %dma_start3A_741, %dma_start3A_742] : memref<8x128x64xf32, #tpu.memory_space<vmem>> -> memref<1x128x64xf32, #tpu.memory_space<vmem>>
        %dma_start3A_744 = tpu.memref_squeeze %dma_start3A_743 : memref<1x128x64xf32, #tpu.memory_space<vmem>> -> memref<128x64xf32, #tpu.memory_space<vmem>>
        tpu.enqueue_dma source(%dma_start3A_744 : memref<128x64xf32, #tpu.memory_space<vmem>>) target(%dma_start3A_740 : memref<128x64xf32, #tpu.memory_space<hbm>>) target_semaphore(%arg29 : memref<!tpu.dma_semaphore, #tpu.memory_space<semaphore_mem>>)
        %add3A_745 = arith.constant 4 : i32
        %add3A_746 = arith.addi %add3A_350, %add3A_745 : i32
        %mul3A_747 = arith.constant 128 : i32
        %mul3A_748 = arith.muli %add3A_746, %mul3A_747 : i32
        %add3A_749 = arith.addi %mul3A_2, %mul3A_748 : i32
        %dma_start3A_750 = arith.constant 5 : i32
        %dma_start3A_751 = arith.constant 0 : i32
        %dma_start3A_752 = tpu.memref_slice %arg5[%dma_start3A_750, %dma_start3A_751] : memref<8x128xi32, #tpu.memory_space<vmem>> -> memref<1x128xi32, #tpu.memory_space<vmem>>
        %dma_start3A_753 = tpu.memref_squeeze %dma_start3A_752 : memref<1x128xi32, #tpu.memory_space<vmem>> -> memref<128xi32, #tpu.memory_space<vmem>>
        %dma_start3A_754 = tpu.memref_slice %arg2[%add3A_749] : memref<3276800xi32, #tpu.memory_space<hbm>> -> memref<128xi32, #tpu.memory_space<hbm>>
        %dma_start3A_755 = arith.constant 0 : i32
        %dma_start3A_756 = tpu.memref_slice %arg5[%dma_start3A_750, %dma_start3A_755] : memref<8x128xi32, #tpu.memory_space<vmem>> -> memref<1x128xi32, #tpu.memory_space<vmem>>
        %dma_start3A_757 = tpu.memref_squeeze %dma_start3A_756 : memref<1x128xi32, #tpu.memory_space<vmem>> -> memref<128xi32, #tpu.memory_space<vmem>>
        %dma_start3A_758 = tpu.memref_slice %arg2[%add3A_749] : memref<3276800xi32, #tpu.memory_space<hbm>> -> memref<128xi32, #tpu.memory_space<hbm>>
        tpu.enqueue_dma source(%dma_start3A_758 : memref<128xi32, #tpu.memory_space<hbm>>) target(%dma_start3A_757 : memref<128xi32, #tpu.memory_space<vmem>>) target_semaphore(%arg13 : memref<!tpu.dma_semaphore, #tpu.memory_space<semaphore_mem>>)
      } else {
      }
      %mul3A_382 = arith.constant 8 : i32
      %mul3A_383 = arith.muli %scan3A_312, %mul3A_382 : i32
      %add3A_384 = arith.constant 2 : i32
      %add3A_385 = arith.addi %mul3A_383, %add3A_384 : i32
      %gt3A_386 = arith.constant 0 : i32
      %gt3A_387 = arith.cmpi sgt, %scan3A_312, %gt3A_386 : i32
      %convert_element_type3A_388 = arith.extui %gt3A_387 : i1 to i32
      %cond3A_389 = arith.constant 0 : i32
      %cond3A_390 = arith.cmpi ne, %convert_element_type3A_388, %cond3A_389 : i32
      scf.if %cond3A_390 {
        %dma_wait3A_714 = arith.constant 2 : i32
        %dma_wait3A_715 = arith.constant 0 : i32
        %dma_wait3A_716 = arith.constant 0 : i32
        %dma_wait3A_717 = tpu.memref_slice %arg6[%dma_wait3A_714, %dma_wait3A_715, %dma_wait3A_716] : memref<8x128x64xf32, #tpu.memory_space<vmem>> -> memref<1x128x64xf32, #tpu.memory_space<vmem>>
        %dma_wait3A_718 = tpu.memref_squeeze %dma_wait3A_717 : memref<1x128x64xf32, #tpu.memory_space<vmem>> -> memref<128x64xf32, #tpu.memory_space<vmem>>
        %dma_wait3A_719 = arith.constant 0 : i32
        %dma_wait3A_720 = tpu.memref_slice %arg4[%mul3A_2, %dma_wait3A_719] : memref<3276800x64xf32, #tpu.memory_space<hbm>> -> memref<128x64xf32, #tpu.memory_space<hbm>>
        %dma_wait3A_721 = arith.constant 0 : i32
        %dma_wait3A_722 = tpu.memref_slice %arg4[%mul3A_2, %dma_wait3A_721] : memref<3276800x64xf32, #tpu.memory_space<hbm>> -> memref<128x64xf32, #tpu.memory_space<hbm>>
        %dma_wait3A_723 = arith.constant 0 : i32
        %dma_wait3A_724 = arith.constant 0 : i32
        %dma_wait3A_725 = tpu.memref_slice %arg6[%dma_wait3A_714, %dma_wait3A_723, %dma_wait3A_724] : memref<8x128x64xf32, #tpu.memory_space<vmem>> -> memref<1x128x64xf32, #tpu.memory_space<vmem>>
        %dma_wait3A_726 = tpu.memref_squeeze %dma_wait3A_725 : memref<1x128x64xf32, #tpu.memory_space<vmem>> -> memref<128x64xf32, #tpu.memory_space<vmem>>
        tpu.wait_dma2 semaphore(%arg26 : memref<!tpu.dma_semaphore, #tpu.memory_space<semaphore_mem>>) src(%dma_wait3A_726 : memref<128x64xf32, #tpu.memory_space<vmem>>) dst(%dma_wait3A_722 : memref<128x64xf32, #tpu.memory_space<hbm>>)
      } else {
      }
      %dma_wait3A_391 = arith.constant 2 : i32
      %dma_wait3A_392 = arith.constant 0 : i32
      %dma_wait3A_393 = tpu.memref_slice %arg5[%dma_wait3A_391, %dma_wait3A_392] : memref<8x128xi32, #tpu.memory_space<vmem>> -> memref<1x128xi32, #tpu.memory_space<vmem>>
      %dma_wait3A_394 = tpu.memref_squeeze %dma_wait3A_393 : memref<1x128xi32, #tpu.memory_space<vmem>> -> memref<128xi32, #tpu.memory_space<vmem>>
      %dma_wait3A_395 = tpu.memref_slice %arg2[%mul3A_2] : memref<3276800xi32, #tpu.memory_space<hbm>> -> memref<128xi32, #tpu.memory_space<hbm>>
      %dma_wait3A_396 = arith.constant 0 : i32
      %dma_wait3A_397 = tpu.memref_slice %arg5[%dma_wait3A_391, %dma_wait3A_396] : memref<8x128xi32, #tpu.memory_space<vmem>> -> memref<1x128xi32, #tpu.memory_space<vmem>>
      %dma_wait3A_398 = tpu.memref_squeeze %dma_wait3A_397 : memref<1x128xi32, #tpu.memory_space<vmem>> -> memref<128xi32, #tpu.memory_space<vmem>>
      %dma_wait3A_399 = tpu.memref_slice %arg2[%mul3A_2] : memref<3276800xi32, #tpu.memory_space<hbm>> -> memref<128xi32, #tpu.memory_space<hbm>>
      tpu.wait_dma2 semaphore(%arg10 : memref<!tpu.dma_semaphore, #tpu.memory_space<semaphore_mem>>) src(%dma_wait3A_399 : memref<128xi32, #tpu.memory_space<hbm>>) dst(%dma_wait3A_398 : memref<128xi32, #tpu.memory_space<vmem>>)
      %dma_start3A_400 = arith.constant 2 : i32
      %dma_start3A_401 = arith.constant 2 : i32
      %dma_start3A_402 = arith.constant 0 : i32
      %dma_start3A_403 = arith.constant 0 : i32
      %dma_start3A_404 = tpu.memref_slice %arg6[%dma_start3A_401, %dma_start3A_402, %dma_start3A_403] : memref<8x128x64xf32, #tpu.memory_space<vmem>> -> memref<1x128x64xf32, #tpu.memory_space<vmem>>
      %dma_start3A_405 = tpu.memref_squeeze %dma_start3A_404 : memref<1x128x64xf32, #tpu.memory_space<vmem>> -> memref<128x64xf32, #tpu.memory_space<vmem>>
      %dma_start3A_406 = arith.constant 0 : i32
      %dma_start3A_407 = tpu.memref_slice %arg5[%dma_start3A_400, %dma_start3A_406] : memref<8x128xi32, #tpu.memory_space<vmem>> -> memref<1x128xi32, #tpu.memory_space<vmem>>
      %dma_start3A_408 = tpu.memref_squeeze %dma_start3A_407 : memref<1x128xi32, #tpu.memory_space<vmem>> -> memref<128xi32, #tpu.memory_space<vmem>>
      %dma_start3A_409 = arith.constant 0 : i32
      %dma_start3A_410 = arith.constant 0 : i32
      %dma_start3A_411 = tpu.memref_slice %arg7[%dma_start3A_409, %dma_start3A_410] : memref<48x64xf32, #tpu.memory_space<vmem_shared>> -> memref<48x64xf32, #tpu.memory_space<vmem_shared>>
      tpu.enqueue_indirect_dma source(%dma_start3A_411 : memref<48x64xf32, #tpu.memory_space<vmem_shared>>) target(%dma_start3A_405 : memref<128x64xf32, #tpu.memory_space<vmem>>) offsets(%dma_start3A_408 : memref<128xi32, #tpu.memory_space<vmem>>) semaphore(%arg18 : memref<!tpu.dma_semaphore, #tpu.memory_space<semaphore_mem>>)
      %gt3A_412 = arith.constant 0 : i32
      %gt3A_413 = arith.cmpi sgt, %scan3A_312, %gt3A_412 : i32
      %convert_element_type3A_414 = arith.extui %gt3A_413 : i1 to i32
      %cond3A_415 = arith.constant 0 : i32
      %cond3A_416 = arith.cmpi ne, %convert_element_type3A_414, %cond3A_415 : i32
      scf.if %cond3A_416 {
        %dma_wait3A_714 = arith.constant 6 : i32
        %dma_wait3A_715 = arith.constant 0 : i32
        %dma_wait3A_716 = arith.constant 0 : i32
        %dma_wait3A_717 = tpu.memref_slice %arg6[%dma_wait3A_714, %dma_wait3A_715, %dma_wait3A_716] : memref<8x128x64xf32, #tpu.memory_space<vmem>> -> memref<1x128x64xf32, #tpu.memory_space<vmem>>
        %dma_wait3A_718 = tpu.memref_squeeze %dma_wait3A_717 : memref<1x128x64xf32, #tpu.memory_space<vmem>> -> memref<128x64xf32, #tpu.memory_space<vmem>>
        %dma_wait3A_719 = arith.constant 0 : i32
        %dma_wait3A_720 = tpu.memref_slice %arg4[%mul3A_2, %dma_wait3A_719] : memref<3276800x64xf32, #tpu.memory_space<hbm>> -> memref<128x64xf32, #tpu.memory_space<hbm>>
        %dma_wait3A_721 = arith.constant 0 : i32
        %dma_wait3A_722 = arith.constant 0 : i32
        %dma_wait3A_723 = tpu.memref_slice %arg6[%dma_wait3A_714, %dma_wait3A_721, %dma_wait3A_722] : memref<8x128x64xf32, #tpu.memory_space<vmem>> -> memref<1x128x64xf32, #tpu.memory_space<vmem>>
        %dma_wait3A_724 = tpu.memref_squeeze %dma_wait3A_723 : memref<1x128x64xf32, #tpu.memory_space<vmem>> -> memref<128x64xf32, #tpu.memory_space<vmem>>
        %dma_wait3A_725 = arith.constant 0 : i32
        %dma_wait3A_726 = tpu.memref_slice %arg4[%mul3A_2, %dma_wait3A_725] : memref<3276800x64xf32, #tpu.memory_space<hbm>> -> memref<128x64xf32, #tpu.memory_space<hbm>>
        tpu.wait_dma2 semaphore(%arg22 : memref<!tpu.dma_semaphore, #tpu.memory_space<semaphore_mem>>) src(%dma_wait3A_726 : memref<128x64xf32, #tpu.memory_space<hbm>>) dst(%dma_wait3A_724 : memref<128x64xf32, #tpu.memory_space<vmem>>)
        %sub3A_727 = arith.constant 4 : i32
        %sub3A_728 = arith.subi %add3A_385, %sub3A_727 : i32
        %mul3A_729 = arith.constant 128 : i32
        %mul3A_730 = arith.muli %sub3A_728, %mul3A_729 : i32
        %add3A_731 = arith.addi %mul3A_2, %mul3A_730 : i32
        %dma_start3A_732 = arith.constant 6 : i32
        %dma_start3A_733 = arith.constant 0 : i32
        %dma_start3A_734 = arith.constant 0 : i32
        %dma_start3A_735 = tpu.memref_slice %arg6[%dma_start3A_732, %dma_start3A_733, %dma_start3A_734] : memref<8x128x64xf32, #tpu.memory_space<vmem>> -> memref<1x128x64xf32, #tpu.memory_space<vmem>>
        %dma_start3A_736 = tpu.memref_squeeze %dma_start3A_735 : memref<1x128x64xf32, #tpu.memory_space<vmem>> -> memref<128x64xf32, #tpu.memory_space<vmem>>
        %dma_start3A_737 = arith.constant 0 : i32
        %dma_start3A_738 = tpu.memref_slice %arg4[%add3A_731, %dma_start3A_737] : memref<3276800x64xf32, #tpu.memory_space<hbm>> -> memref<128x64xf32, #tpu.memory_space<hbm>>
        %dma_start3A_739 = arith.constant 0 : i32
        %dma_start3A_740 = tpu.memref_slice %arg4[%add3A_731, %dma_start3A_739] : memref<3276800x64xf32, #tpu.memory_space<hbm>> -> memref<128x64xf32, #tpu.memory_space<hbm>>
        %dma_start3A_741 = arith.constant 0 : i32
        %dma_start3A_742 = arith.constant 0 : i32
        %dma_start3A_743 = tpu.memref_slice %arg6[%dma_start3A_732, %dma_start3A_741, %dma_start3A_742] : memref<8x128x64xf32, #tpu.memory_space<vmem>> -> memref<1x128x64xf32, #tpu.memory_space<vmem>>
        %dma_start3A_744 = tpu.memref_squeeze %dma_start3A_743 : memref<1x128x64xf32, #tpu.memory_space<vmem>> -> memref<128x64xf32, #tpu.memory_space<vmem>>
        tpu.enqueue_dma source(%dma_start3A_744 : memref<128x64xf32, #tpu.memory_space<vmem>>) target(%dma_start3A_740 : memref<128x64xf32, #tpu.memory_space<hbm>>) target_semaphore(%arg30 : memref<!tpu.dma_semaphore, #tpu.memory_space<semaphore_mem>>)
        %add3A_745 = arith.constant 4 : i32
        %add3A_746 = arith.addi %add3A_385, %add3A_745 : i32
        %mul3A_747 = arith.constant 128 : i32
        %mul3A_748 = arith.muli %add3A_746, %mul3A_747 : i32
        %add3A_749 = arith.addi %mul3A_2, %mul3A_748 : i32
        %dma_start3A_750 = arith.constant 6 : i32
        %dma_start3A_751 = arith.constant 0 : i32
        %dma_start3A_752 = tpu.memref_slice %arg5[%dma_start3A_750, %dma_start3A_751] : memref<8x128xi32, #tpu.memory_space<vmem>> -> memref<1x128xi32, #tpu.memory_space<vmem>>
        %dma_start3A_753 = tpu.memref_squeeze %dma_start3A_752 : memref<1x128xi32, #tpu.memory_space<vmem>> -> memref<128xi32, #tpu.memory_space<vmem>>
        %dma_start3A_754 = tpu.memref_slice %arg2[%add3A_749] : memref<3276800xi32, #tpu.memory_space<hbm>> -> memref<128xi32, #tpu.memory_space<hbm>>
        %dma_start3A_755 = arith.constant 0 : i32
        %dma_start3A_756 = tpu.memref_slice %arg5[%dma_start3A_750, %dma_start3A_755] : memref<8x128xi32, #tpu.memory_space<vmem>> -> memref<1x128xi32, #tpu.memory_space<vmem>>
        %dma_start3A_757 = tpu.memref_squeeze %dma_start3A_756 : memref<1x128xi32, #tpu.memory_space<vmem>> -> memref<128xi32, #tpu.memory_space<vmem>>
        %dma_start3A_758 = tpu.memref_slice %arg2[%add3A_749] : memref<3276800xi32, #tpu.memory_space<hbm>> -> memref<128xi32, #tpu.memory_space<hbm>>
        tpu.enqueue_dma source(%dma_start3A_758 : memref<128xi32, #tpu.memory_space<hbm>>) target(%dma_start3A_757 : memref<128xi32, #tpu.memory_space<vmem>>) target_semaphore(%arg14 : memref<!tpu.dma_semaphore, #tpu.memory_space<semaphore_mem>>)
      } else {
      }
      %mul3A_417 = arith.constant 8 : i32
      %mul3A_418 = arith.muli %scan3A_312, %mul3A_417 : i32
      %add3A_419 = arith.constant 3 : i32
      %add3A_420 = arith.addi %mul3A_418, %add3A_419 : i32
      %gt3A_421 = arith.constant 0 : i32
      %gt3A_422 = arith.cmpi sgt, %scan3A_312, %gt3A_421 : i32
      %convert_element_type3A_423 = arith.extui %gt3A_422 : i1 to i32
      %cond3A_424 = arith.constant 0 : i32
      %cond3A_425 = arith.cmpi ne, %convert_element_type3A_423, %cond3A_424 : i32
      scf.if %cond3A_425 {
        %dma_wait3A_714 = arith.constant 3 : i32
        %dma_wait3A_715 = arith.constant 0 : i32
        %dma_wait3A_716 = arith.constant 0 : i32
        %dma_wait3A_717 = tpu.memref_slice %arg6[%dma_wait3A_714, %dma_wait3A_715, %dma_wait3A_716] : memref<8x128x64xf32, #tpu.memory_space<vmem>> -> memref<1x128x64xf32, #tpu.memory_space<vmem>>
        %dma_wait3A_718 = tpu.memref_squeeze %dma_wait3A_717 : memref<1x128x64xf32, #tpu.memory_space<vmem>> -> memref<128x64xf32, #tpu.memory_space<vmem>>
        %dma_wait3A_719 = arith.constant 0 : i32
        %dma_wait3A_720 = tpu.memref_slice %arg4[%mul3A_2, %dma_wait3A_719] : memref<3276800x64xf32, #tpu.memory_space<hbm>> -> memref<128x64xf32, #tpu.memory_space<hbm>>
        %dma_wait3A_721 = arith.constant 0 : i32
        %dma_wait3A_722 = tpu.memref_slice %arg4[%mul3A_2, %dma_wait3A_721] : memref<3276800x64xf32, #tpu.memory_space<hbm>> -> memref<128x64xf32, #tpu.memory_space<hbm>>
        %dma_wait3A_723 = arith.constant 0 : i32
        %dma_wait3A_724 = arith.constant 0 : i32
        %dma_wait3A_725 = tpu.memref_slice %arg6[%dma_wait3A_714, %dma_wait3A_723, %dma_wait3A_724] : memref<8x128x64xf32, #tpu.memory_space<vmem>> -> memref<1x128x64xf32, #tpu.memory_space<vmem>>
        %dma_wait3A_726 = tpu.memref_squeeze %dma_wait3A_725 : memref<1x128x64xf32, #tpu.memory_space<vmem>> -> memref<128x64xf32, #tpu.memory_space<vmem>>
        tpu.wait_dma2 semaphore(%arg27 : memref<!tpu.dma_semaphore, #tpu.memory_space<semaphore_mem>>) src(%dma_wait3A_726 : memref<128x64xf32, #tpu.memory_space<vmem>>) dst(%dma_wait3A_722 : memref<128x64xf32, #tpu.memory_space<hbm>>)
      } else {
      }
      %dma_wait3A_426 = arith.constant 3 : i32
      %dma_wait3A_427 = arith.constant 0 : i32
      %dma_wait3A_428 = tpu.memref_slice %arg5[%dma_wait3A_426, %dma_wait3A_427] : memref<8x128xi32, #tpu.memory_space<vmem>> -> memref<1x128xi32, #tpu.memory_space<vmem>>
      %dma_wait3A_429 = tpu.memref_squeeze %dma_wait3A_428 : memref<1x128xi32, #tpu.memory_space<vmem>> -> memref<128xi32, #tpu.memory_space<vmem>>
      %dma_wait3A_430 = tpu.memref_slice %arg2[%mul3A_2] : memref<3276800xi32, #tpu.memory_space<hbm>> -> memref<128xi32, #tpu.memory_space<hbm>>
      %dma_wait3A_431 = arith.constant 0 : i32
      %dma_wait3A_432 = tpu.memref_slice %arg5[%dma_wait3A_426, %dma_wait3A_431] : memref<8x128xi32, #tpu.memory_space<vmem>> -> memref<1x128xi32, #tpu.memory_space<vmem>>
      %dma_wait3A_433 = tpu.memref_squeeze %dma_wait3A_432 : memref<1x128xi32, #tpu.memory_space<vmem>> -> memref<128xi32, #tpu.memory_space<vmem>>
      %dma_wait3A_434 = tpu.memref_slice %arg2[%mul3A_2] : memref<3276800xi32, #tpu.memory_space<hbm>> -> memref<128xi32, #tpu.memory_space<hbm>>
      tpu.wait_dma2 semaphore(%arg11 : memref<!tpu.dma_semaphore, #tpu.memory_space<semaphore_mem>>) src(%dma_wait3A_434 : memref<128xi32, #tpu.memory_space<hbm>>) dst(%dma_wait3A_433 : memref<128xi32, #tpu.memory_space<vmem>>)
      %dma_start3A_435 = arith.constant 3 : i32
      %dma_start3A_436 = arith.constant 3 : i32
      %dma_start3A_437 = arith.constant 0 : i32
      %dma_start3A_438 = arith.constant 0 : i32
      %dma_start3A_439 = tpu.memref_slice %arg6[%dma_start3A_436, %dma_start3A_437, %dma_start3A_438] : memref<8x128x64xf32, #tpu.memory_space<vmem>> -> memref<1x128x64xf32, #tpu.memory_space<vmem>>
      %dma_start3A_440 = tpu.memref_squeeze %dma_start3A_439 : memref<1x128x64xf32, #tpu.memory_space<vmem>> -> memref<128x64xf32, #tpu.memory_space<vmem>>
      %dma_start3A_441 = arith.constant 0 : i32
      %dma_start3A_442 = tpu.memref_slice %arg5[%dma_start3A_435, %dma_start3A_441] : memref<8x128xi32, #tpu.memory_space<vmem>> -> memref<1x128xi32, #tpu.memory_space<vmem>>
      %dma_start3A_443 = tpu.memref_squeeze %dma_start3A_442 : memref<1x128xi32, #tpu.memory_space<vmem>> -> memref<128xi32, #tpu.memory_space<vmem>>
      %dma_start3A_444 = arith.constant 0 : i32
      %dma_start3A_445 = arith.constant 0 : i32
      %dma_start3A_446 = tpu.memref_slice %arg7[%dma_start3A_444, %dma_start3A_445] : memref<48x64xf32, #tpu.memory_space<vmem_shared>> -> memref<48x64xf32, #tpu.memory_space<vmem_shared>>
      tpu.enqueue_indirect_dma source(%dma_start3A_446 : memref<48x64xf32, #tpu.memory_space<vmem_shared>>) target(%dma_start3A_440 : memref<128x64xf32, #tpu.memory_space<vmem>>) offsets(%dma_start3A_443 : memref<128xi32, #tpu.memory_space<vmem>>) semaphore(%arg19 : memref<!tpu.dma_semaphore, #tpu.memory_space<semaphore_mem>>)
      %gt3A_447 = arith.constant 0 : i32
      %gt3A_448 = arith.cmpi sgt, %scan3A_312, %gt3A_447 : i32
      %convert_element_type3A_449 = arith.extui %gt3A_448 : i1 to i32
      %cond3A_450 = arith.constant 0 : i32
      %cond3A_451 = arith.cmpi ne, %convert_element_type3A_449, %cond3A_450 : i32
      scf.if %cond3A_451 {
        %dma_wait3A_714 = arith.constant 7 : i32
        %dma_wait3A_715 = arith.constant 0 : i32
        %dma_wait3A_716 = arith.constant 0 : i32
        %dma_wait3A_717 = tpu.memref_slice %arg6[%dma_wait3A_714, %dma_wait3A_715, %dma_wait3A_716] : memref<8x128x64xf32, #tpu.memory_space<vmem>> -> memref<1x128x64xf32, #tpu.memory_space<vmem>>
        %dma_wait3A_718 = tpu.memref_squeeze %dma_wait3A_717 : memref<1x128x64xf32, #tpu.memory_space<vmem>> -> memref<128x64xf32, #tpu.memory_space<vmem>>
        %dma_wait3A_719 = arith.constant 0 : i32
        %dma_wait3A_720 = tpu.memref_slice %arg4[%mul3A_2, %dma_wait3A_719] : memref<3276800x64xf32, #tpu.memory_space<hbm>> -> memref<128x64xf32, #tpu.memory_space<hbm>>
        %dma_wait3A_721 = arith.constant 0 : i32
        %dma_wait3A_722 = arith.constant 0 : i32
        %dma_wait3A_723 = tpu.memref_slice %arg6[%dma_wait3A_714, %dma_wait3A_721, %dma_wait3A_722] : memref<8x128x64xf32, #tpu.memory_space<vmem>> -> memref<1x128x64xf32, #tpu.memory_space<vmem>>
        %dma_wait3A_724 = tpu.memref_squeeze %dma_wait3A_723 : memref<1x128x64xf32, #tpu.memory_space<vmem>> -> memref<128x64xf32, #tpu.memory_space<vmem>>
        %dma_wait3A_725 = arith.constant 0 : i32
        %dma_wait3A_726 = tpu.memref_slice %arg4[%mul3A_2, %dma_wait3A_725] : memref<3276800x64xf32, #tpu.memory_space<hbm>> -> memref<128x64xf32, #tpu.memory_space<hbm>>
        tpu.wait_dma2 semaphore(%arg23 : memref<!tpu.dma_semaphore, #tpu.memory_space<semaphore_mem>>) src(%dma_wait3A_726 : memref<128x64xf32, #tpu.memory_space<hbm>>) dst(%dma_wait3A_724 : memref<128x64xf32, #tpu.memory_space<vmem>>)
        %sub3A_727 = arith.constant 4 : i32
        %sub3A_728 = arith.subi %add3A_420, %sub3A_727 : i32
        %mul3A_729 = arith.constant 128 : i32
        %mul3A_730 = arith.muli %sub3A_728, %mul3A_729 : i32
        %add3A_731 = arith.addi %mul3A_2, %mul3A_730 : i32
        %dma_start3A_732 = arith.constant 7 : i32
        %dma_start3A_733 = arith.constant 0 : i32
        %dma_start3A_734 = arith.constant 0 : i32
        %dma_start3A_735 = tpu.memref_slice %arg6[%dma_start3A_732, %dma_start3A_733, %dma_start3A_734] : memref<8x128x64xf32, #tpu.memory_space<vmem>> -> memref<1x128x64xf32, #tpu.memory_space<vmem>>
        %dma_start3A_736 = tpu.memref_squeeze %dma_start3A_735 : memref<1x128x64xf32, #tpu.memory_space<vmem>> -> memref<128x64xf32, #tpu.memory_space<vmem>>
        %dma_start3A_737 = arith.constant 0 : i32
        %dma_start3A_738 = tpu.memref_slice %arg4[%add3A_731, %dma_start3A_737] : memref<3276800x64xf32, #tpu.memory_space<hbm>> -> memref<128x64xf32, #tpu.memory_space<hbm>>
        %dma_start3A_739 = arith.constant 0 : i32
        %dma_start3A_740 = tpu.memref_slice %arg4[%add3A_731, %dma_start3A_739] : memref<3276800x64xf32, #tpu.memory_space<hbm>> -> memref<128x64xf32, #tpu.memory_space<hbm>>
        %dma_start3A_741 = arith.constant 0 : i32
        %dma_start3A_742 = arith.constant 0 : i32
        %dma_start3A_743 = tpu.memref_slice %arg6[%dma_start3A_732, %dma_start3A_741, %dma_start3A_742] : memref<8x128x64xf32, #tpu.memory_space<vmem>> -> memref<1x128x64xf32, #tpu.memory_space<vmem>>
        %dma_start3A_744 = tpu.memref_squeeze %dma_start3A_743 : memref<1x128x64xf32, #tpu.memory_space<vmem>> -> memref<128x64xf32, #tpu.memory_space<vmem>>
        tpu.enqueue_dma source(%dma_start3A_744 : memref<128x64xf32, #tpu.memory_space<vmem>>) target(%dma_start3A_740 : memref<128x64xf32, #tpu.memory_space<hbm>>) target_semaphore(%arg31 : memref<!tpu.dma_semaphore, #tpu.memory_space<semaphore_mem>>)
        %add3A_745 = arith.constant 4 : i32
        %add3A_746 = arith.addi %add3A_420, %add3A_745 : i32
        %mul3A_747 = arith.constant 128 : i32
        %mul3A_748 = arith.muli %add3A_746, %mul3A_747 : i32
        %add3A_749 = arith.addi %mul3A_2, %mul3A_748 : i32
        %dma_start3A_750 = arith.constant 7 : i32
        %dma_start3A_751 = arith.constant 0 : i32
        %dma_start3A_752 = tpu.memref_slice %arg5[%dma_start3A_750, %dma_start3A_751] : memref<8x128xi32, #tpu.memory_space<vmem>> -> memref<1x128xi32, #tpu.memory_space<vmem>>
        %dma_start3A_753 = tpu.memref_squeeze %dma_start3A_752 : memref<1x128xi32, #tpu.memory_space<vmem>> -> memref<128xi32, #tpu.memory_space<vmem>>
        %dma_start3A_754 = tpu.memref_slice %arg2[%add3A_749] : memref<3276800xi32, #tpu.memory_space<hbm>> -> memref<128xi32, #tpu.memory_space<hbm>>
        %dma_start3A_755 = arith.constant 0 : i32
        %dma_start3A_756 = tpu.memref_slice %arg5[%dma_start3A_750, %dma_start3A_755] : memref<8x128xi32, #tpu.memory_space<vmem>> -> memref<1x128xi32, #tpu.memory_space<vmem>>
        %dma_start3A_757 = tpu.memref_squeeze %dma_start3A_756 : memref<1x128xi32, #tpu.memory_space<vmem>> -> memref<128xi32, #tpu.memory_space<vmem>>
        %dma_start3A_758 = tpu.memref_slice %arg2[%add3A_749] : memref<3276800xi32, #tpu.memory_space<hbm>> -> memref<128xi32, #tpu.memory_space<hbm>>
        tpu.enqueue_dma source(%dma_start3A_758 : memref<128xi32, #tpu.memory_space<hbm>>) target(%dma_start3A_757 : memref<128xi32, #tpu.memory_space<vmem>>) target_semaphore(%arg15 : memref<!tpu.dma_semaphore, #tpu.memory_space<semaphore_mem>>)
      } else {
      }
      %mul3A_452 = arith.constant 8 : i32
      %mul3A_453 = arith.muli %scan3A_312, %mul3A_452 : i32
      %add3A_454 = arith.constant 4 : i32
      %add3A_455 = arith.addi %mul3A_453, %add3A_454 : i32
      %gt3A_456 = arith.constant 0 : i32
      %gt3A_457 = arith.cmpi sgt, %scan3A_312, %gt3A_456 : i32
      %convert_element_type3A_458 = arith.extui %gt3A_457 : i1 to i32
      %cond3A_459 = arith.constant 0 : i32
      %cond3A_460 = arith.cmpi ne, %convert_element_type3A_458, %cond3A_459 : i32
      scf.if %cond3A_460 {
        %dma_wait3A_714 = arith.constant 4 : i32
        %dma_wait3A_715 = arith.constant 0 : i32
        %dma_wait3A_716 = arith.constant 0 : i32
        %dma_wait3A_717 = tpu.memref_slice %arg6[%dma_wait3A_714, %dma_wait3A_715, %dma_wait3A_716] : memref<8x128x64xf32, #tpu.memory_space<vmem>> -> memref<1x128x64xf32, #tpu.memory_space<vmem>>
        %dma_wait3A_718 = tpu.memref_squeeze %dma_wait3A_717 : memref<1x128x64xf32, #tpu.memory_space<vmem>> -> memref<128x64xf32, #tpu.memory_space<vmem>>
        %dma_wait3A_719 = arith.constant 0 : i32
        %dma_wait3A_720 = tpu.memref_slice %arg4[%mul3A_2, %dma_wait3A_719] : memref<3276800x64xf32, #tpu.memory_space<hbm>> -> memref<128x64xf32, #tpu.memory_space<hbm>>
        %dma_wait3A_721 = arith.constant 0 : i32
        %dma_wait3A_722 = tpu.memref_slice %arg4[%mul3A_2, %dma_wait3A_721] : memref<3276800x64xf32, #tpu.memory_space<hbm>> -> memref<128x64xf32, #tpu.memory_space<hbm>>
        %dma_wait3A_723 = arith.constant 0 : i32
        %dma_wait3A_724 = arith.constant 0 : i32
        %dma_wait3A_725 = tpu.memref_slice %arg6[%dma_wait3A_714, %dma_wait3A_723, %dma_wait3A_724] : memref<8x128x64xf32, #tpu.memory_space<vmem>> -> memref<1x128x64xf32, #tpu.memory_space<vmem>>
        %dma_wait3A_726 = tpu.memref_squeeze %dma_wait3A_725 : memref<1x128x64xf32, #tpu.memory_space<vmem>> -> memref<128x64xf32, #tpu.memory_space<vmem>>
        tpu.wait_dma2 semaphore(%arg28 : memref<!tpu.dma_semaphore, #tpu.memory_space<semaphore_mem>>) src(%dma_wait3A_726 : memref<128x64xf32, #tpu.memory_space<vmem>>) dst(%dma_wait3A_722 : memref<128x64xf32, #tpu.memory_space<hbm>>)
      } else {
      }
      %dma_wait3A_461 = arith.constant 4 : i32
      %dma_wait3A_462 = arith.constant 0 : i32
      %dma_wait3A_463 = tpu.memref_slice %arg5[%dma_wait3A_461, %dma_wait3A_462] : memref<8x128xi32, #tpu.memory_space<vmem>> -> memref<1x128xi32, #tpu.memory_space<vmem>>
      %dma_wait3A_464 = tpu.memref_squeeze %dma_wait3A_463 : memref<1x128xi32, #tpu.memory_space<vmem>> -> memref<128xi32, #tpu.memory_space<vmem>>
      %dma_wait3A_465 = tpu.memref_slice %arg2[%mul3A_2] : memref<3276800xi32, #tpu.memory_space<hbm>> -> memref<128xi32, #tpu.memory_space<hbm>>
      %dma_wait3A_466 = arith.constant 0 : i32
      %dma_wait3A_467 = tpu.memref_slice %arg5[%dma_wait3A_461, %dma_wait3A_466] : memref<8x128xi32, #tpu.memory_space<vmem>> -> memref<1x128xi32, #tpu.memory_space<vmem>>
      %dma_wait3A_468 = tpu.memref_squeeze %dma_wait3A_467 : memref<1x128xi32, #tpu.memory_space<vmem>> -> memref<128xi32, #tpu.memory_space<vmem>>
      %dma_wait3A_469 = tpu.memref_slice %arg2[%mul3A_2] : memref<3276800xi32, #tpu.memory_space<hbm>> -> memref<128xi32, #tpu.memory_space<hbm>>
      tpu.wait_dma2 semaphore(%arg12 : memref<!tpu.dma_semaphore, #tpu.memory_space<semaphore_mem>>) src(%dma_wait3A_469 : memref<128xi32, #tpu.memory_space<hbm>>) dst(%dma_wait3A_468 : memref<128xi32, #tpu.memory_space<vmem>>)
      %dma_start3A_470 = arith.constant 4 : i32
      %dma_start3A_471 = arith.constant 4 : i32
      %dma_start3A_472 = arith.constant 0 : i32
      %dma_start3A_473 = arith.constant 0 : i32
      %dma_start3A_474 = tpu.memref_slice %arg6[%dma_start3A_471, %dma_start3A_472, %dma_start3A_473] : memref<8x128x64xf32, #tpu.memory_space<vmem>> -> memref<1x128x64xf32, #tpu.memory_space<vmem>>
      %dma_start3A_475 = tpu.memref_squeeze %dma_start3A_474 : memref<1x128x64xf32, #tpu.memory_space<vmem>> -> memref<128x64xf32, #tpu.memory_space<vmem>>
      %dma_start3A_476 = arith.constant 0 : i32
      %dma_start3A_477 = tpu.memref_slice %arg5[%dma_start3A_470, %dma_start3A_476] : memref<8x128xi32, #tpu.memory_space<vmem>> -> memref<1x128xi32, #tpu.memory_space<vmem>>
      %dma_start3A_478 = tpu.memref_squeeze %dma_start3A_477 : memref<1x128xi32, #tpu.memory_space<vmem>> -> memref<128xi32, #tpu.memory_space<vmem>>
      %dma_start3A_479 = arith.constant 0 : i32
      %dma_start3A_480 = arith.constant 0 : i32
      %dma_start3A_481 = tpu.memref_slice %arg7[%dma_start3A_479, %dma_start3A_480] : memref<48x64xf32, #tpu.memory_space<vmem_shared>> -> memref<48x64xf32, #tpu.memory_space<vmem_shared>>
      tpu.enqueue_indirect_dma source(%dma_start3A_481 : memref<48x64xf32, #tpu.memory_space<vmem_shared>>) target(%dma_start3A_475 : memref<128x64xf32, #tpu.memory_space<vmem>>) offsets(%dma_start3A_478 : memref<128xi32, #tpu.memory_space<vmem>>) semaphore(%arg20 : memref<!tpu.dma_semaphore, #tpu.memory_space<semaphore_mem>>)
      %dma_wait3A_482 = arith.constant 0 : i32
      %dma_wait3A_483 = arith.constant 0 : i32
      %dma_wait3A_484 = arith.constant 0 : i32
      %dma_wait3A_485 = tpu.memref_slice %arg6[%dma_wait3A_482, %dma_wait3A_483, %dma_wait3A_484] : memref<8x128x64xf32, #tpu.memory_space<vmem>> -> memref<1x128x64xf32, #tpu.memory_space<vmem>>
      %dma_wait3A_486 = tpu.memref_squeeze %dma_wait3A_485 : memref<1x128x64xf32, #tpu.memory_space<vmem>> -> memref<128x64xf32, #tpu.memory_space<vmem>>
      %dma_wait3A_487 = arith.constant 0 : i32
      %dma_wait3A_488 = tpu.memref_slice %arg4[%mul3A_2, %dma_wait3A_487] : memref<3276800x64xf32, #tpu.memory_space<hbm>> -> memref<128x64xf32, #tpu.memory_space<hbm>>
      %dma_wait3A_489 = arith.constant 0 : i32
      %dma_wait3A_490 = arith.constant 0 : i32
      %dma_wait3A_491 = tpu.memref_slice %arg6[%dma_wait3A_482, %dma_wait3A_489, %dma_wait3A_490] : memref<8x128x64xf32, #tpu.memory_space<vmem>> -> memref<1x128x64xf32, #tpu.memory_space<vmem>>
      %dma_wait3A_492 = tpu.memref_squeeze %dma_wait3A_491 : memref<1x128x64xf32, #tpu.memory_space<vmem>> -> memref<128x64xf32, #tpu.memory_space<vmem>>
      %dma_wait3A_493 = arith.constant 0 : i32
      %dma_wait3A_494 = tpu.memref_slice %arg4[%mul3A_2, %dma_wait3A_493] : memref<3276800x64xf32, #tpu.memory_space<hbm>> -> memref<128x64xf32, #tpu.memory_space<hbm>>
      tpu.wait_dma2 semaphore(%arg16 : memref<!tpu.dma_semaphore, #tpu.memory_space<semaphore_mem>>) src(%dma_wait3A_494 : memref<128x64xf32, #tpu.memory_space<hbm>>) dst(%dma_wait3A_492 : memref<128x64xf32, #tpu.memory_space<vmem>>)
      %sub3A = arith.constant 4 : i32
      %sub3A_495 = arith.subi %add3A_455, %sub3A : i32
      %mul3A_496 = arith.constant 128 : i32
      %mul3A_497 = arith.muli %sub3A_495, %mul3A_496 : i32
      %add3A_498 = arith.addi %mul3A_2, %mul3A_497 : i32
      %dma_start3A_499 = arith.constant 0 : i32
      %dma_start3A_500 = arith.constant 0 : i32
      %dma_start3A_501 = arith.constant 0 : i32
      %dma_start3A_502 = tpu.memref_slice %arg6[%dma_start3A_499, %dma_start3A_500, %dma_start3A_501] : memref<8x128x64xf32, #tpu.memory_space<vmem>> -> memref<1x128x64xf32, #tpu.memory_space<vmem>>
      %dma_start3A_503 = tpu.memref_squeeze %dma_start3A_502 : memref<1x128x64xf32, #tpu.memory_space<vmem>> -> memref<128x64xf32, #tpu.memory_space<vmem>>
      %dma_start3A_504 = arith.constant 0 : i32
      %dma_start3A_505 = tpu.memref_slice %arg4[%add3A_498, %dma_start3A_504] : memref<3276800x64xf32, #tpu.memory_space<hbm>> -> memref<128x64xf32, #tpu.memory_space<hbm>>
      %dma_start3A_506 = arith.constant 0 : i32
      %dma_start3A_507 = tpu.memref_slice %arg4[%add3A_498, %dma_start3A_506] : memref<3276800x64xf32, #tpu.memory_space<hbm>> -> memref<128x64xf32, #tpu.memory_space<hbm>>
      %dma_start3A_508 = arith.constant 0 : i32
      %dma_start3A_509 = arith.constant 0 : i32
      %dma_start3A_510 = tpu.memref_slice %arg6[%dma_start3A_499, %dma_start3A_508, %dma_start3A_509] : memref<8x128x64xf32, #tpu.memory_space<vmem>> -> memref<1x128x64xf32, #tpu.memory_space<vmem>>
      %dma_start3A_511 = tpu.memref_squeeze %dma_start3A_510 : memref<1x128x64xf32, #tpu.memory_space<vmem>> -> memref<128x64xf32, #tpu.memory_space<vmem>>
      tpu.enqueue_dma source(%dma_start3A_511 : memref<128x64xf32, #tpu.memory_space<vmem>>) target(%dma_start3A_507 : memref<128x64xf32, #tpu.memory_space<hbm>>) target_semaphore(%arg24 : memref<!tpu.dma_semaphore, #tpu.memory_space<semaphore_mem>>)
      %lt3A = arith.constant 99 : i32
      %lt3A_512 = arith.cmpi slt, %scan3A_312, %lt3A : i32
      %convert_element_type3A_513 = arith.extui %lt3A_512 : i1 to i32
      %cond3A_514 = arith.constant 0 : i32
      %cond3A_515 = arith.cmpi ne, %convert_element_type3A_513, %cond3A_514 : i32
      scf.if %cond3A_515 {
        %add3A_714 = arith.constant 4 : i32
        %add3A_715 = arith.addi %add3A_455, %add3A_714 : i32
        %mul3A_716 = arith.constant 128 : i32
        %mul3A_717 = arith.muli %add3A_715, %mul3A_716 : i32
        %add3A_718 = arith.addi %mul3A_2, %mul3A_717 : i32
        %dma_start3A_719 = arith.constant 0 : i32
        %dma_start3A_720 = arith.constant 0 : i32
        %dma_start3A_721 = tpu.memref_slice %arg5[%dma_start3A_719, %dma_start3A_720] : memref<8x128xi32, #tpu.memory_space<vmem>> -> memref<1x128xi32, #tpu.memory_space<vmem>>
        %dma_start3A_722 = tpu.memref_squeeze %dma_start3A_721 : memref<1x128xi32, #tpu.memory_space<vmem>> -> memref<128xi32, #tpu.memory_space<vmem>>
        %dma_start3A_723 = tpu.memref_slice %arg2[%add3A_718] : memref<3276800xi32, #tpu.memory_space<hbm>> -> memref<128xi32, #tpu.memory_space<hbm>>
        %dma_start3A_724 = arith.constant 0 : i32
        %dma_start3A_725 = tpu.memref_slice %arg5[%dma_start3A_719, %dma_start3A_724] : memref<8x128xi32, #tpu.memory_space<vmem>> -> memref<1x128xi32, #tpu.memory_space<vmem>>
        %dma_start3A_726 = tpu.memref_squeeze %dma_start3A_725 : memref<1x128xi32, #tpu.memory_space<vmem>> -> memref<128xi32, #tpu.memory_space<vmem>>
        %dma_start3A_727 = tpu.memref_slice %arg2[%add3A_718] : memref<3276800xi32, #tpu.memory_space<hbm>> -> memref<128xi32, #tpu.memory_space<hbm>>
        tpu.enqueue_dma source(%dma_start3A_727 : memref<128xi32, #tpu.memory_space<hbm>>) target(%dma_start3A_726 : memref<128xi32, #tpu.memory_space<vmem>>) target_semaphore(%arg8 : memref<!tpu.dma_semaphore, #tpu.memory_space<semaphore_mem>>)
      } else {
      }
      %mul3A_516 = arith.constant 8 : i32
      %mul3A_517 = arith.muli %scan3A_312, %mul3A_516 : i32
      %add3A_518 = arith.constant 5 : i32
      %add3A_519 = arith.addi %mul3A_517, %add3A_518 : i32
      %gt3A_520 = arith.constant 0 : i32
      %gt3A_521 = arith.cmpi sgt, %scan3A_312, %gt3A_520 : i32
      %convert_element_type3A_522 = arith.extui %gt3A_521 : i1 to i32
      %cond3A_523 = arith.constant 0 : i32
      %cond3A_524 = arith.cmpi ne, %convert_element_type3A_522, %cond3A_523 : i32
      scf.if %cond3A_524 {
        %dma_wait3A_714 = arith.constant 5 : i32
        %dma_wait3A_715 = arith.constant 0 : i32
        %dma_wait3A_716 = arith.constant 0 : i32
        %dma_wait3A_717 = tpu.memref_slice %arg6[%dma_wait3A_714, %dma_wait3A_715, %dma_wait3A_716] : memref<8x128x64xf32, #tpu.memory_space<vmem>> -> memref<1x128x64xf32, #tpu.memory_space<vmem>>
        %dma_wait3A_718 = tpu.memref_squeeze %dma_wait3A_717 : memref<1x128x64xf32, #tpu.memory_space<vmem>> -> memref<128x64xf32, #tpu.memory_space<vmem>>
        %dma_wait3A_719 = arith.constant 0 : i32
        %dma_wait3A_720 = tpu.memref_slice %arg4[%mul3A_2, %dma_wait3A_719] : memref<3276800x64xf32, #tpu.memory_space<hbm>> -> memref<128x64xf32, #tpu.memory_space<hbm>>
        %dma_wait3A_721 = arith.constant 0 : i32
        %dma_wait3A_722 = tpu.memref_slice %arg4[%mul3A_2, %dma_wait3A_721] : memref<3276800x64xf32, #tpu.memory_space<hbm>> -> memref<128x64xf32, #tpu.memory_space<hbm>>
        %dma_wait3A_723 = arith.constant 0 : i32
        %dma_wait3A_724 = arith.constant 0 : i32
        %dma_wait3A_725 = tpu.memref_slice %arg6[%dma_wait3A_714, %dma_wait3A_723, %dma_wait3A_724] : memref<8x128x64xf32, #tpu.memory_space<vmem>> -> memref<1x128x64xf32, #tpu.memory_space<vmem>>
        %dma_wait3A_726 = tpu.memref_squeeze %dma_wait3A_725 : memref<1x128x64xf32, #tpu.memory_space<vmem>> -> memref<128x64xf32, #tpu.memory_space<vmem>>
        tpu.wait_dma2 semaphore(%arg29 : memref<!tpu.dma_semaphore, #tpu.memory_space<semaphore_mem>>) src(%dma_wait3A_726 : memref<128x64xf32, #tpu.memory_space<vmem>>) dst(%dma_wait3A_722 : memref<128x64xf32, #tpu.memory_space<hbm>>)
      } else {
      }
      %dma_wait3A_525 = arith.constant 5 : i32
      %dma_wait3A_526 = arith.constant 0 : i32
      %dma_wait3A_527 = tpu.memref_slice %arg5[%dma_wait3A_525, %dma_wait3A_526] : memref<8x128xi32, #tpu.memory_space<vmem>> -> memref<1x128xi32, #tpu.memory_space<vmem>>
      %dma_wait3A_528 = tpu.memref_squeeze %dma_wait3A_527 : memref<1x128xi32, #tpu.memory_space<vmem>> -> memref<128xi32, #tpu.memory_space<vmem>>
      %dma_wait3A_529 = tpu.memref_slice %arg2[%mul3A_2] : memref<3276800xi32, #tpu.memory_space<hbm>> -> memref<128xi32, #tpu.memory_space<hbm>>
      %dma_wait3A_530 = arith.constant 0 : i32
      %dma_wait3A_531 = tpu.memref_slice %arg5[%dma_wait3A_525, %dma_wait3A_530] : memref<8x128xi32, #tpu.memory_space<vmem>> -> memref<1x128xi32, #tpu.memory_space<vmem>>
      %dma_wait3A_532 = tpu.memref_squeeze %dma_wait3A_531 : memref<1x128xi32, #tpu.memory_space<vmem>> -> memref<128xi32, #tpu.memory_space<vmem>>
      %dma_wait3A_533 = tpu.memref_slice %arg2[%mul3A_2] : memref<3276800xi32, #tpu.memory_space<hbm>> -> memref<128xi32, #tpu.memory_space<hbm>>
      tpu.wait_dma2 semaphore(%arg13 : memref<!tpu.dma_semaphore, #tpu.memory_space<semaphore_mem>>) src(%dma_wait3A_533 : memref<128xi32, #tpu.memory_space<hbm>>) dst(%dma_wait3A_532 : memref<128xi32, #tpu.memory_space<vmem>>)
      %dma_start3A_534 = arith.constant 5 : i32
      %dma_start3A_535 = arith.constant 5 : i32
      %dma_start3A_536 = arith.constant 0 : i32
      %dma_start3A_537 = arith.constant 0 : i32
      %dma_start3A_538 = tpu.memref_slice %arg6[%dma_start3A_535, %dma_start3A_536, %dma_start3A_537] : memref<8x128x64xf32, #tpu.memory_space<vmem>> -> memref<1x128x64xf32, #tpu.memory_space<vmem>>
      %dma_start3A_539 = tpu.memref_squeeze %dma_start3A_538 : memref<1x128x64xf32, #tpu.memory_space<vmem>> -> memref<128x64xf32, #tpu.memory_space<vmem>>
      %dma_start3A_540 = arith.constant 0 : i32
      %dma_start3A_541 = tpu.memref_slice %arg5[%dma_start3A_534, %dma_start3A_540] : memref<8x128xi32, #tpu.memory_space<vmem>> -> memref<1x128xi32, #tpu.memory_space<vmem>>
      %dma_start3A_542 = tpu.memref_squeeze %dma_start3A_541 : memref<1x128xi32, #tpu.memory_space<vmem>> -> memref<128xi32, #tpu.memory_space<vmem>>
      %dma_start3A_543 = arith.constant 0 : i32
      %dma_start3A_544 = arith.constant 0 : i32
      %dma_start3A_545 = tpu.memref_slice %arg7[%dma_start3A_543, %dma_start3A_544] : memref<48x64xf32, #tpu.memory_space<vmem_shared>> -> memref<48x64xf32, #tpu.memory_space<vmem_shared>>
      tpu.enqueue_indirect_dma source(%dma_start3A_545 : memref<48x64xf32, #tpu.memory_space<vmem_shared>>) target(%dma_start3A_539 : memref<128x64xf32, #tpu.memory_space<vmem>>) offsets(%dma_start3A_542 : memref<128xi32, #tpu.memory_space<vmem>>) semaphore(%arg21 : memref<!tpu.dma_semaphore, #tpu.memory_space<semaphore_mem>>)
      %dma_wait3A_546 = arith.constant 1 : i32
      %dma_wait3A_547 = arith.constant 0 : i32
      %dma_wait3A_548 = arith.constant 0 : i32
      %dma_wait3A_549 = tpu.memref_slice %arg6[%dma_wait3A_546, %dma_wait3A_547, %dma_wait3A_548] : memref<8x128x64xf32, #tpu.memory_space<vmem>> -> memref<1x128x64xf32, #tpu.memory_space<vmem>>
      %dma_wait3A_550 = tpu.memref_squeeze %dma_wait3A_549 : memref<1x128x64xf32, #tpu.memory_space<vmem>> -> memref<128x64xf32, #tpu.memory_space<vmem>>
      %dma_wait3A_551 = arith.constant 0 : i32
      %dma_wait3A_552 = tpu.memref_slice %arg4[%mul3A_2, %dma_wait3A_551] : memref<3276800x64xf32, #tpu.memory_space<hbm>> -> memref<128x64xf32, #tpu.memory_space<hbm>>
      %dma_wait3A_553 = arith.constant 0 : i32
      %dma_wait3A_554 = arith.constant 0 : i32
      %dma_wait3A_555 = tpu.memref_slice %arg6[%dma_wait3A_546, %dma_wait3A_553, %dma_wait3A_554] : memref<8x128x64xf32, #tpu.memory_space<vmem>> -> memref<1x128x64xf32, #tpu.memory_space<vmem>>
      %dma_wait3A_556 = tpu.memref_squeeze %dma_wait3A_555 : memref<1x128x64xf32, #tpu.memory_space<vmem>> -> memref<128x64xf32, #tpu.memory_space<vmem>>
      %dma_wait3A_557 = arith.constant 0 : i32
      %dma_wait3A_558 = tpu.memref_slice %arg4[%mul3A_2, %dma_wait3A_557] : memref<3276800x64xf32, #tpu.memory_space<hbm>> -> memref<128x64xf32, #tpu.memory_space<hbm>>
      tpu.wait_dma2 semaphore(%arg17 : memref<!tpu.dma_semaphore, #tpu.memory_space<semaphore_mem>>) src(%dma_wait3A_558 : memref<128x64xf32, #tpu.memory_space<hbm>>) dst(%dma_wait3A_556 : memref<128x64xf32, #tpu.memory_space<vmem>>)
      %sub3A_559 = arith.constant 4 : i32
      %sub3A_560 = arith.subi %add3A_519, %sub3A_559 : i32
      %mul3A_561 = arith.constant 128 : i32
      %mul3A_562 = arith.muli %sub3A_560, %mul3A_561 : i32
      %add3A_563 = arith.addi %mul3A_2, %mul3A_562 : i32
      %dma_start3A_564 = arith.constant 1 : i32
      %dma_start3A_565 = arith.constant 0 : i32
      %dma_start3A_566 = arith.constant 0 : i32
      %dma_start3A_567 = tpu.memref_slice %arg6[%dma_start3A_564, %dma_start3A_565, %dma_start3A_566] : memref<8x128x64xf32, #tpu.memory_space<vmem>> -> memref<1x128x64xf32, #tpu.memory_space<vmem>>
      %dma_start3A_568 = tpu.memref_squeeze %dma_start3A_567 : memref<1x128x64xf32, #tpu.memory_space<vmem>> -> memref<128x64xf32, #tpu.memory_space<vmem>>
      %dma_start3A_569 = arith.constant 0 : i32
      %dma_start3A_570 = tpu.memref_slice %arg4[%add3A_563, %dma_start3A_569] : memref<3276800x64xf32, #tpu.memory_space<hbm>> -> memref<128x64xf32, #tpu.memory_space<hbm>>
      %dma_start3A_571 = arith.constant 0 : i32
      %dma_start3A_572 = tpu.memref_slice %arg4[%add3A_563, %dma_start3A_571] : memref<3276800x64xf32, #tpu.memory_space<hbm>> -> memref<128x64xf32, #tpu.memory_space<hbm>>
      %dma_start3A_573 = arith.constant 0 : i32
      %dma_start3A_574 = arith.constant 0 : i32
      %dma_start3A_575 = tpu.memref_slice %arg6[%dma_start3A_564, %dma_start3A_573, %dma_start3A_574] : memref<8x128x64xf32, #tpu.memory_space<vmem>> -> memref<1x128x64xf32, #tpu.memory_space<vmem>>
      %dma_start3A_576 = tpu.memref_squeeze %dma_start3A_575 : memref<1x128x64xf32, #tpu.memory_space<vmem>> -> memref<128x64xf32, #tpu.memory_space<vmem>>
      tpu.enqueue_dma source(%dma_start3A_576 : memref<128x64xf32, #tpu.memory_space<vmem>>) target(%dma_start3A_572 : memref<128x64xf32, #tpu.memory_space<hbm>>) target_semaphore(%arg25 : memref<!tpu.dma_semaphore, #tpu.memory_space<semaphore_mem>>)
      %lt3A_577 = arith.constant 99 : i32
      %lt3A_578 = arith.cmpi slt, %scan3A_312, %lt3A_577 : i32
      %convert_element_type3A_579 = arith.extui %lt3A_578 : i1 to i32
      %cond3A_580 = arith.constant 0 : i32
      %cond3A_581 = arith.cmpi ne, %convert_element_type3A_579, %cond3A_580 : i32
      scf.if %cond3A_581 {
        %add3A_714 = arith.constant 4 : i32
        %add3A_715 = arith.addi %add3A_519, %add3A_714 : i32
        %mul3A_716 = arith.constant 128 : i32
        %mul3A_717 = arith.muli %add3A_715, %mul3A_716 : i32
        %add3A_718 = arith.addi %mul3A_2, %mul3A_717 : i32
        %dma_start3A_719 = arith.constant 1 : i32
        %dma_start3A_720 = arith.constant 0 : i32
        %dma_start3A_721 = tpu.memref_slice %arg5[%dma_start3A_719, %dma_start3A_720] : memref<8x128xi32, #tpu.memory_space<vmem>> -> memref<1x128xi32, #tpu.memory_space<vmem>>
        %dma_start3A_722 = tpu.memref_squeeze %dma_start3A_721 : memref<1x128xi32, #tpu.memory_space<vmem>> -> memref<128xi32, #tpu.memory_space<vmem>>
        %dma_start3A_723 = tpu.memref_slice %arg2[%add3A_718] : memref<3276800xi32, #tpu.memory_space<hbm>> -> memref<128xi32, #tpu.memory_space<hbm>>
        %dma_start3A_724 = arith.constant 0 : i32
        %dma_start3A_725 = tpu.memref_slice %arg5[%dma_start3A_719, %dma_start3A_724] : memref<8x128xi32, #tpu.memory_space<vmem>> -> memref<1x128xi32, #tpu.memory_space<vmem>>
        %dma_start3A_726 = tpu.memref_squeeze %dma_start3A_725 : memref<1x128xi32, #tpu.memory_space<vmem>> -> memref<128xi32, #tpu.memory_space<vmem>>
        %dma_start3A_727 = tpu.memref_slice %arg2[%add3A_718] : memref<3276800xi32, #tpu.memory_space<hbm>> -> memref<128xi32, #tpu.memory_space<hbm>>
        tpu.enqueue_dma source(%dma_start3A_727 : memref<128xi32, #tpu.memory_space<hbm>>) target(%dma_start3A_726 : memref<128xi32, #tpu.memory_space<vmem>>) target_semaphore(%arg9 : memref<!tpu.dma_semaphore, #tpu.memory_space<semaphore_mem>>)
      } else {
      }
      %mul3A_582 = arith.constant 8 : i32
      %mul3A_583 = arith.muli %scan3A_312, %mul3A_582 : i32
      %add3A_584 = arith.constant 6 : i32
      %add3A_585 = arith.addi %mul3A_583, %add3A_584 : i32
      %gt3A_586 = arith.constant 0 : i32
      %gt3A_587 = arith.cmpi sgt, %scan3A_312, %gt3A_586 : i32
      %convert_element_type3A_588 = arith.extui %gt3A_587 : i1 to i32
      %cond3A_589 = arith.constant 0 : i32
      %cond3A_590 = arith.cmpi ne, %convert_element_type3A_588, %cond3A_589 : i32
      scf.if %cond3A_590 {
        %dma_wait3A_714 = arith.constant 6 : i32
        %dma_wait3A_715 = arith.constant 0 : i32
        %dma_wait3A_716 = arith.constant 0 : i32
        %dma_wait3A_717 = tpu.memref_slice %arg6[%dma_wait3A_714, %dma_wait3A_715, %dma_wait3A_716] : memref<8x128x64xf32, #tpu.memory_space<vmem>> -> memref<1x128x64xf32, #tpu.memory_space<vmem>>
        %dma_wait3A_718 = tpu.memref_squeeze %dma_wait3A_717 : memref<1x128x64xf32, #tpu.memory_space<vmem>> -> memref<128x64xf32, #tpu.memory_space<vmem>>
        %dma_wait3A_719 = arith.constant 0 : i32
        %dma_wait3A_720 = tpu.memref_slice %arg4[%mul3A_2, %dma_wait3A_719] : memref<3276800x64xf32, #tpu.memory_space<hbm>> -> memref<128x64xf32, #tpu.memory_space<hbm>>
        %dma_wait3A_721 = arith.constant 0 : i32
        %dma_wait3A_722 = tpu.memref_slice %arg4[%mul3A_2, %dma_wait3A_721] : memref<3276800x64xf32, #tpu.memory_space<hbm>> -> memref<128x64xf32, #tpu.memory_space<hbm>>
        %dma_wait3A_723 = arith.constant 0 : i32
        %dma_wait3A_724 = arith.constant 0 : i32
        %dma_wait3A_725 = tpu.memref_slice %arg6[%dma_wait3A_714, %dma_wait3A_723, %dma_wait3A_724] : memref<8x128x64xf32, #tpu.memory_space<vmem>> -> memref<1x128x64xf32, #tpu.memory_space<vmem>>
        %dma_wait3A_726 = tpu.memref_squeeze %dma_wait3A_725 : memref<1x128x64xf32, #tpu.memory_space<vmem>> -> memref<128x64xf32, #tpu.memory_space<vmem>>
        tpu.wait_dma2 semaphore(%arg30 : memref<!tpu.dma_semaphore, #tpu.memory_space<semaphore_mem>>) src(%dma_wait3A_726 : memref<128x64xf32, #tpu.memory_space<vmem>>) dst(%dma_wait3A_722 : memref<128x64xf32, #tpu.memory_space<hbm>>)
      } else {
      }
      %dma_wait3A_591 = arith.constant 6 : i32
      %dma_wait3A_592 = arith.constant 0 : i32
      %dma_wait3A_593 = tpu.memref_slice %arg5[%dma_wait3A_591, %dma_wait3A_592] : memref<8x128xi32, #tpu.memory_space<vmem>> -> memref<1x128xi32, #tpu.memory_space<vmem>>
      %dma_wait3A_594 = tpu.memref_squeeze %dma_wait3A_593 : memref<1x128xi32, #tpu.memory_space<vmem>> -> memref<128xi32, #tpu.memory_space<vmem>>
      %dma_wait3A_595 = tpu.memref_slice %arg2[%mul3A_2] : memref<3276800xi32, #tpu.memory_space<hbm>> -> memref<128xi32, #tpu.memory_space<hbm>>
      %dma_wait3A_596 = arith.constant 0 : i32
      %dma_wait3A_597 = tpu.memref_slice %arg5[%dma_wait3A_591, %dma_wait3A_596] : memref<8x128xi32, #tpu.memory_space<vmem>> -> memref<1x128xi32, #tpu.memory_space<vmem>>
      %dma_wait3A_598 = tpu.memref_squeeze %dma_wait3A_597 : memref<1x128xi32, #tpu.memory_space<vmem>> -> memref<128xi32, #tpu.memory_space<vmem>>
      %dma_wait3A_599 = tpu.memref_slice %arg2[%mul3A_2] : memref<3276800xi32, #tpu.memory_space<hbm>> -> memref<128xi32, #tpu.memory_space<hbm>>
      tpu.wait_dma2 semaphore(%arg14 : memref<!tpu.dma_semaphore, #tpu.memory_space<semaphore_mem>>) src(%dma_wait3A_599 : memref<128xi32, #tpu.memory_space<hbm>>) dst(%dma_wait3A_598 : memref<128xi32, #tpu.memory_space<vmem>>)
      %dma_start3A_600 = arith.constant 6 : i32
      %dma_start3A_601 = arith.constant 6 : i32
      %dma_start3A_602 = arith.constant 0 : i32
      %dma_start3A_603 = arith.constant 0 : i32
      %dma_start3A_604 = tpu.memref_slice %arg6[%dma_start3A_601, %dma_start3A_602, %dma_start3A_603] : memref<8x128x64xf32, #tpu.memory_space<vmem>> -> memref<1x128x64xf32, #tpu.memory_space<vmem>>
      %dma_start3A_605 = tpu.memref_squeeze %dma_start3A_604 : memref<1x128x64xf32, #tpu.memory_space<vmem>> -> memref<128x64xf32, #tpu.memory_space<vmem>>
      %dma_start3A_606 = arith.constant 0 : i32
      %dma_start3A_607 = tpu.memref_slice %arg5[%dma_start3A_600, %dma_start3A_606] : memref<8x128xi32, #tpu.memory_space<vmem>> -> memref<1x128xi32, #tpu.memory_space<vmem>>
      %dma_start3A_608 = tpu.memref_squeeze %dma_start3A_607 : memref<1x128xi32, #tpu.memory_space<vmem>> -> memref<128xi32, #tpu.memory_space<vmem>>
      %dma_start3A_609 = arith.constant 0 : i32
      %dma_start3A_610 = arith.constant 0 : i32
      %dma_start3A_611 = tpu.memref_slice %arg7[%dma_start3A_609, %dma_start3A_610] : memref<48x64xf32, #tpu.memory_space<vmem_shared>> -> memref<48x64xf32, #tpu.memory_space<vmem_shared>>
      tpu.enqueue_indirect_dma source(%dma_start3A_611 : memref<48x64xf32, #tpu.memory_space<vmem_shared>>) target(%dma_start3A_605 : memref<128x64xf32, #tpu.memory_space<vmem>>) offsets(%dma_start3A_608 : memref<128xi32, #tpu.memory_space<vmem>>) semaphore(%arg22 : memref<!tpu.dma_semaphore, #tpu.memory_space<semaphore_mem>>)
      %dma_wait3A_612 = arith.constant 2 : i32
      %dma_wait3A_613 = arith.constant 0 : i32
      %dma_wait3A_614 = arith.constant 0 : i32
      %dma_wait3A_615 = tpu.memref_slice %arg6[%dma_wait3A_612, %dma_wait3A_613, %dma_wait3A_614] : memref<8x128x64xf32, #tpu.memory_space<vmem>> -> memref<1x128x64xf32, #tpu.memory_space<vmem>>
      %dma_wait3A_616 = tpu.memref_squeeze %dma_wait3A_615 : memref<1x128x64xf32, #tpu.memory_space<vmem>> -> memref<128x64xf32, #tpu.memory_space<vmem>>
      %dma_wait3A_617 = arith.constant 0 : i32
      %dma_wait3A_618 = tpu.memref_slice %arg4[%mul3A_2, %dma_wait3A_617] : memref<3276800x64xf32, #tpu.memory_space<hbm>> -> memref<128x64xf32, #tpu.memory_space<hbm>>
      %dma_wait3A_619 = arith.constant 0 : i32
      %dma_wait3A_620 = arith.constant 0 : i32
      %dma_wait3A_621 = tpu.memref_slice %arg6[%dma_wait3A_612, %dma_wait3A_619, %dma_wait3A_620] : memref<8x128x64xf32, #tpu.memory_space<vmem>> -> memref<1x128x64xf32, #tpu.memory_space<vmem>>
      %dma_wait3A_622 = tpu.memref_squeeze %dma_wait3A_621 : memref<1x128x64xf32, #tpu.memory_space<vmem>> -> memref<128x64xf32, #tpu.memory_space<vmem>>
      %dma_wait3A_623 = arith.constant 0 : i32
      %dma_wait3A_624 = tpu.memref_slice %arg4[%mul3A_2, %dma_wait3A_623] : memref<3276800x64xf32, #tpu.memory_space<hbm>> -> memref<128x64xf32, #tpu.memory_space<hbm>>
      tpu.wait_dma2 semaphore(%arg18 : memref<!tpu.dma_semaphore, #tpu.memory_space<semaphore_mem>>) src(%dma_wait3A_624 : memref<128x64xf32, #tpu.memory_space<hbm>>) dst(%dma_wait3A_622 : memref<128x64xf32, #tpu.memory_space<vmem>>)
      %sub3A_625 = arith.constant 4 : i32
      %sub3A_626 = arith.subi %add3A_585, %sub3A_625 : i32
      %mul3A_627 = arith.constant 128 : i32
      %mul3A_628 = arith.muli %sub3A_626, %mul3A_627 : i32
      %add3A_629 = arith.addi %mul3A_2, %mul3A_628 : i32
      %dma_start3A_630 = arith.constant 2 : i32
      %dma_start3A_631 = arith.constant 0 : i32
      %dma_start3A_632 = arith.constant 0 : i32
      %dma_start3A_633 = tpu.memref_slice %arg6[%dma_start3A_630, %dma_start3A_631, %dma_start3A_632] : memref<8x128x64xf32, #tpu.memory_space<vmem>> -> memref<1x128x64xf32, #tpu.memory_space<vmem>>
      %dma_start3A_634 = tpu.memref_squeeze %dma_start3A_633 : memref<1x128x64xf32, #tpu.memory_space<vmem>> -> memref<128x64xf32, #tpu.memory_space<vmem>>
      %dma_start3A_635 = arith.constant 0 : i32
      %dma_start3A_636 = tpu.memref_slice %arg4[%add3A_629, %dma_start3A_635] : memref<3276800x64xf32, #tpu.memory_space<hbm>> -> memref<128x64xf32, #tpu.memory_space<hbm>>
      %dma_start3A_637 = arith.constant 0 : i32
      %dma_start3A_638 = tpu.memref_slice %arg4[%add3A_629, %dma_start3A_637] : memref<3276800x64xf32, #tpu.memory_space<hbm>> -> memref<128x64xf32, #tpu.memory_space<hbm>>
      %dma_start3A_639 = arith.constant 0 : i32
      %dma_start3A_640 = arith.constant 0 : i32
      %dma_start3A_641 = tpu.memref_slice %arg6[%dma_start3A_630, %dma_start3A_639, %dma_start3A_640] : memref<8x128x64xf32, #tpu.memory_space<vmem>> -> memref<1x128x64xf32, #tpu.memory_space<vmem>>
      %dma_start3A_642 = tpu.memref_squeeze %dma_start3A_641 : memref<1x128x64xf32, #tpu.memory_space<vmem>> -> memref<128x64xf32, #tpu.memory_space<vmem>>
      tpu.enqueue_dma source(%dma_start3A_642 : memref<128x64xf32, #tpu.memory_space<vmem>>) target(%dma_start3A_638 : memref<128x64xf32, #tpu.memory_space<hbm>>) target_semaphore(%arg26 : memref<!tpu.dma_semaphore, #tpu.memory_space<semaphore_mem>>)
      %lt3A_643 = arith.constant 99 : i32
      %lt3A_644 = arith.cmpi slt, %scan3A_312, %lt3A_643 : i32
      %convert_element_type3A_645 = arith.extui %lt3A_644 : i1 to i32
      %cond3A_646 = arith.constant 0 : i32
      %cond3A_647 = arith.cmpi ne, %convert_element_type3A_645, %cond3A_646 : i32
      scf.if %cond3A_647 {
        %add3A_714 = arith.constant 4 : i32
        %add3A_715 = arith.addi %add3A_585, %add3A_714 : i32
        %mul3A_716 = arith.constant 128 : i32
        %mul3A_717 = arith.muli %add3A_715, %mul3A_716 : i32
        %add3A_718 = arith.addi %mul3A_2, %mul3A_717 : i32
        %dma_start3A_719 = arith.constant 2 : i32
        %dma_start3A_720 = arith.constant 0 : i32
        %dma_start3A_721 = tpu.memref_slice %arg5[%dma_start3A_719, %dma_start3A_720] : memref<8x128xi32, #tpu.memory_space<vmem>> -> memref<1x128xi32, #tpu.memory_space<vmem>>
        %dma_start3A_722 = tpu.memref_squeeze %dma_start3A_721 : memref<1x128xi32, #tpu.memory_space<vmem>> -> memref<128xi32, #tpu.memory_space<vmem>>
        %dma_start3A_723 = tpu.memref_slice %arg2[%add3A_718] : memref<3276800xi32, #tpu.memory_space<hbm>> -> memref<128xi32, #tpu.memory_space<hbm>>
        %dma_start3A_724 = arith.constant 0 : i32
        %dma_start3A_725 = tpu.memref_slice %arg5[%dma_start3A_719, %dma_start3A_724] : memref<8x128xi32, #tpu.memory_space<vmem>> -> memref<1x128xi32, #tpu.memory_space<vmem>>
        %dma_start3A_726 = tpu.memref_squeeze %dma_start3A_725 : memref<1x128xi32, #tpu.memory_space<vmem>> -> memref<128xi32, #tpu.memory_space<vmem>>
        %dma_start3A_727 = tpu.memref_slice %arg2[%add3A_718] : memref<3276800xi32, #tpu.memory_space<hbm>> -> memref<128xi32, #tpu.memory_space<hbm>>
        tpu.enqueue_dma source(%dma_start3A_727 : memref<128xi32, #tpu.memory_space<hbm>>) target(%dma_start3A_726 : memref<128xi32, #tpu.memory_space<vmem>>) target_semaphore(%arg10 : memref<!tpu.dma_semaphore, #tpu.memory_space<semaphore_mem>>)
      } else {
      }
      %mul3A_648 = arith.constant 8 : i32
      %mul3A_649 = arith.muli %scan3A_312, %mul3A_648 : i32
      %add3A_650 = arith.constant 7 : i32
      %add3A_651 = arith.addi %mul3A_649, %add3A_650 : i32
      %gt3A_652 = arith.constant 0 : i32
      %gt3A_653 = arith.cmpi sgt, %scan3A_312, %gt3A_652 : i32
      %convert_element_type3A_654 = arith.extui %gt3A_653 : i1 to i32
      %cond3A_655 = arith.constant 0 : i32
      %cond3A_656 = arith.cmpi ne, %convert_element_type3A_654, %cond3A_655 : i32
      scf.if %cond3A_656 {
        %dma_wait3A_714 = arith.constant 7 : i32
        %dma_wait3A_715 = arith.constant 0 : i32
        %dma_wait3A_716 = arith.constant 0 : i32
        %dma_wait3A_717 = tpu.memref_slice %arg6[%dma_wait3A_714, %dma_wait3A_715, %dma_wait3A_716] : memref<8x128x64xf32, #tpu.memory_space<vmem>> -> memref<1x128x64xf32, #tpu.memory_space<vmem>>
        %dma_wait3A_718 = tpu.memref_squeeze %dma_wait3A_717 : memref<1x128x64xf32, #tpu.memory_space<vmem>> -> memref<128x64xf32, #tpu.memory_space<vmem>>
        %dma_wait3A_719 = arith.constant 0 : i32
        %dma_wait3A_720 = tpu.memref_slice %arg4[%mul3A_2, %dma_wait3A_719] : memref<3276800x64xf32, #tpu.memory_space<hbm>> -> memref<128x64xf32, #tpu.memory_space<hbm>>
        %dma_wait3A_721 = arith.constant 0 : i32
        %dma_wait3A_722 = tpu.memref_slice %arg4[%mul3A_2, %dma_wait3A_721] : memref<3276800x64xf32, #tpu.memory_space<hbm>> -> memref<128x64xf32, #tpu.memory_space<hbm>>
        %dma_wait3A_723 = arith.constant 0 : i32
        %dma_wait3A_724 = arith.constant 0 : i32
        %dma_wait3A_725 = tpu.memref_slice %arg6[%dma_wait3A_714, %dma_wait3A_723, %dma_wait3A_724] : memref<8x128x64xf32, #tpu.memory_space<vmem>> -> memref<1x128x64xf32, #tpu.memory_space<vmem>>
        %dma_wait3A_726 = tpu.memref_squeeze %dma_wait3A_725 : memref<1x128x64xf32, #tpu.memory_space<vmem>> -> memref<128x64xf32, #tpu.memory_space<vmem>>
        tpu.wait_dma2 semaphore(%arg31 : memref<!tpu.dma_semaphore, #tpu.memory_space<semaphore_mem>>) src(%dma_wait3A_726 : memref<128x64xf32, #tpu.memory_space<vmem>>) dst(%dma_wait3A_722 : memref<128x64xf32, #tpu.memory_space<hbm>>)
      } else {
      }
      %dma_wait3A_657 = arith.constant 7 : i32
      %dma_wait3A_658 = arith.constant 0 : i32
      %dma_wait3A_659 = tpu.memref_slice %arg5[%dma_wait3A_657, %dma_wait3A_658] : memref<8x128xi32, #tpu.memory_space<vmem>> -> memref<1x128xi32, #tpu.memory_space<vmem>>
      %dma_wait3A_660 = tpu.memref_squeeze %dma_wait3A_659 : memref<1x128xi32, #tpu.memory_space<vmem>> -> memref<128xi32, #tpu.memory_space<vmem>>
      %dma_wait3A_661 = tpu.memref_slice %arg2[%mul3A_2] : memref<3276800xi32, #tpu.memory_space<hbm>> -> memref<128xi32, #tpu.memory_space<hbm>>
      %dma_wait3A_662 = arith.constant 0 : i32
      %dma_wait3A_663 = tpu.memref_slice %arg5[%dma_wait3A_657, %dma_wait3A_662] : memref<8x128xi32, #tpu.memory_space<vmem>> -> memref<1x128xi32, #tpu.memory_space<vmem>>
      %dma_wait3A_664 = tpu.memref_squeeze %dma_wait3A_663 : memref<1x128xi32, #tpu.memory_space<vmem>> -> memref<128xi32, #tpu.memory_space<vmem>>
      %dma_wait3A_665 = tpu.memref_slice %arg2[%mul3A_2] : memref<3276800xi32, #tpu.memory_space<hbm>> -> memref<128xi32, #tpu.memory_space<hbm>>
      tpu.wait_dma2 semaphore(%arg15 : memref<!tpu.dma_semaphore, #tpu.memory_space<semaphore_mem>>) src(%dma_wait3A_665 : memref<128xi32, #tpu.memory_space<hbm>>) dst(%dma_wait3A_664 : memref<128xi32, #tpu.memory_space<vmem>>)
      %dma_start3A_666 = arith.constant 7 : i32
      %dma_start3A_667 = arith.constant 7 : i32
      %dma_start3A_668 = arith.constant 0 : i32
      %dma_start3A_669 = arith.constant 0 : i32
      %dma_start3A_670 = tpu.memref_slice %arg6[%dma_start3A_667, %dma_start3A_668, %dma_start3A_669] : memref<8x128x64xf32, #tpu.memory_space<vmem>> -> memref<1x128x64xf32, #tpu.memory_space<vmem>>
      %dma_start3A_671 = tpu.memref_squeeze %dma_start3A_670 : memref<1x128x64xf32, #tpu.memory_space<vmem>> -> memref<128x64xf32, #tpu.memory_space<vmem>>
      %dma_start3A_672 = arith.constant 0 : i32
      %dma_start3A_673 = tpu.memref_slice %arg5[%dma_start3A_666, %dma_start3A_672] : memref<8x128xi32, #tpu.memory_space<vmem>> -> memref<1x128xi32, #tpu.memory_space<vmem>>
      %dma_start3A_674 = tpu.memref_squeeze %dma_start3A_673 : memref<1x128xi32, #tpu.memory_space<vmem>> -> memref<128xi32, #tpu.memory_space<vmem>>
      %dma_start3A_675 = arith.constant 0 : i32
      %dma_start3A_676 = arith.constant 0 : i32
      %dma_start3A_677 = tpu.memref_slice %arg7[%dma_start3A_675, %dma_start3A_676] : memref<48x64xf32, #tpu.memory_space<vmem_shared>> -> memref<48x64xf32, #tpu.memory_space<vmem_shared>>
      tpu.enqueue_indirect_dma source(%dma_start3A_677 : memref<48x64xf32, #tpu.memory_space<vmem_shared>>) target(%dma_start3A_671 : memref<128x64xf32, #tpu.memory_space<vmem>>) offsets(%dma_start3A_674 : memref<128xi32, #tpu.memory_space<vmem>>) semaphore(%arg23 : memref<!tpu.dma_semaphore, #tpu.memory_space<semaphore_mem>>)
      %dma_wait3A_678 = arith.constant 3 : i32
      %dma_wait3A_679 = arith.constant 0 : i32
      %dma_wait3A_680 = arith.constant 0 : i32
      %dma_wait3A_681 = tpu.memref_slice %arg6[%dma_wait3A_678, %dma_wait3A_679, %dma_wait3A_680] : memref<8x128x64xf32, #tpu.memory_space<vmem>> -> memref<1x128x64xf32, #tpu.memory_space<vmem>>
      %dma_wait3A_682 = tpu.memref_squeeze %dma_wait3A_681 : memref<1x128x64xf32, #tpu.memory_space<vmem>> -> memref<128x64xf32, #tpu.memory_space<vmem>>
      %dma_wait3A_683 = arith.constant 0 : i32
      %dma_wait3A_684 = tpu.memref_slice %arg4[%mul3A_2, %dma_wait3A_683] : memref<3276800x64xf32, #tpu.memory_space<hbm>> -> memref<128x64xf32, #tpu.memory_space<hbm>>
      %dma_wait3A_685 = arith.constant 0 : i32
      %dma_wait3A_686 = arith.constant 0 : i32
      %dma_wait3A_687 = tpu.memref_slice %arg6[%dma_wait3A_678, %dma_wait3A_685, %dma_wait3A_686] : memref<8x128x64xf32, #tpu.memory_space<vmem>> -> memref<1x128x64xf32, #tpu.memory_space<vmem>>
      %dma_wait3A_688 = tpu.memref_squeeze %dma_wait3A_687 : memref<1x128x64xf32, #tpu.memory_space<vmem>> -> memref<128x64xf32, #tpu.memory_space<vmem>>
      %dma_wait3A_689 = arith.constant 0 : i32
      %dma_wait3A_690 = tpu.memref_slice %arg4[%mul3A_2, %dma_wait3A_689] : memref<3276800x64xf32, #tpu.memory_space<hbm>> -> memref<128x64xf32, #tpu.memory_space<hbm>>
      tpu.wait_dma2 semaphore(%arg19 : memref<!tpu.dma_semaphore, #tpu.memory_space<semaphore_mem>>) src(%dma_wait3A_690 : memref<128x64xf32, #tpu.memory_space<hbm>>) dst(%dma_wait3A_688 : memref<128x64xf32, #tpu.memory_space<vmem>>)
      %sub3A_691 = arith.constant 4 : i32
      %sub3A_692 = arith.subi %add3A_651, %sub3A_691 : i32
      %mul3A_693 = arith.constant 128 : i32
      %mul3A_694 = arith.muli %sub3A_692, %mul3A_693 : i32
      %add3A_695 = arith.addi %mul3A_2, %mul3A_694 : i32
      %dma_start3A_696 = arith.constant 3 : i32
      %dma_start3A_697 = arith.constant 0 : i32
      %dma_start3A_698 = arith.constant 0 : i32
      %dma_start3A_699 = tpu.memref_slice %arg6[%dma_start3A_696, %dma_start3A_697, %dma_start3A_698] : memref<8x128x64xf32, #tpu.memory_space<vmem>> -> memref<1x128x64xf32, #tpu.memory_space<vmem>>
      %dma_start3A_700 = tpu.memref_squeeze %dma_start3A_699 : memref<1x128x64xf32, #tpu.memory_space<vmem>> -> memref<128x64xf32, #tpu.memory_space<vmem>>
      %dma_start3A_701 = arith.constant 0 : i32
      %dma_start3A_702 = tpu.memref_slice %arg4[%add3A_695, %dma_start3A_701] : memref<3276800x64xf32, #tpu.memory_space<hbm>> -> memref<128x64xf32, #tpu.memory_space<hbm>>
      %dma_start3A_703 = arith.constant 0 : i32
      %dma_start3A_704 = tpu.memref_slice %arg4[%add3A_695, %dma_start3A_703] : memref<3276800x64xf32, #tpu.memory_space<hbm>> -> memref<128x64xf32, #tpu.memory_space<hbm>>
      %dma_start3A_705 = arith.constant 0 : i32
      %dma_start3A_706 = arith.constant 0 : i32
      %dma_start3A_707 = tpu.memref_slice %arg6[%dma_start3A_696, %dma_start3A_705, %dma_start3A_706] : memref<8x128x64xf32, #tpu.memory_space<vmem>> -> memref<1x128x64xf32, #tpu.memory_space<vmem>>
      %dma_start3A_708 = tpu.memref_squeeze %dma_start3A_707 : memref<1x128x64xf32, #tpu.memory_space<vmem>> -> memref<128x64xf32, #tpu.memory_space<vmem>>
      tpu.enqueue_dma source(%dma_start3A_708 : memref<128x64xf32, #tpu.memory_space<vmem>>) target(%dma_start3A_704 : memref<128x64xf32, #tpu.memory_space<hbm>>) target_semaphore(%arg27 : memref<!tpu.dma_semaphore, #tpu.memory_space<semaphore_mem>>)
      %lt3A_709 = arith.constant 99 : i32
      %lt3A_710 = arith.cmpi slt, %scan3A_312, %lt3A_709 : i32
      %convert_element_type3A_711 = arith.extui %lt3A_710 : i1 to i32
      %cond3A_712 = arith.constant 0 : i32
      %cond3A_713 = arith.cmpi ne, %convert_element_type3A_711, %cond3A_712 : i32
      scf.if %cond3A_713 {
        %add3A_714 = arith.constant 4 : i32
        %add3A_715 = arith.addi %add3A_651, %add3A_714 : i32
        %mul3A_716 = arith.constant 128 : i32
        %mul3A_717 = arith.muli %add3A_715, %mul3A_716 : i32
        %add3A_718 = arith.addi %mul3A_2, %mul3A_717 : i32
        %dma_start3A_719 = arith.constant 3 : i32
        %dma_start3A_720 = arith.constant 0 : i32
        %dma_start3A_721 = tpu.memref_slice %arg5[%dma_start3A_719, %dma_start3A_720] : memref<8x128xi32, #tpu.memory_space<vmem>> -> memref<1x128xi32, #tpu.memory_space<vmem>>
        %dma_start3A_722 = tpu.memref_squeeze %dma_start3A_721 : memref<1x128xi32, #tpu.memory_space<vmem>> -> memref<128xi32, #tpu.memory_space<vmem>>
        %dma_start3A_723 = tpu.memref_slice %arg2[%add3A_718] : memref<3276800xi32, #tpu.memory_space<hbm>> -> memref<128xi32, #tpu.memory_space<hbm>>
        %dma_start3A_724 = arith.constant 0 : i32
        %dma_start3A_725 = tpu.memref_slice %arg5[%dma_start3A_719, %dma_start3A_724] : memref<8x128xi32, #tpu.memory_space<vmem>> -> memref<1x128xi32, #tpu.memory_space<vmem>>
        %dma_start3A_726 = tpu.memref_squeeze %dma_start3A_725 : memref<1x128xi32, #tpu.memory_space<vmem>> -> memref<128xi32, #tpu.memory_space<vmem>>
        %dma_start3A_727 = tpu.memref_slice %arg2[%add3A_718] : memref<3276800xi32, #tpu.memory_space<hbm>> -> memref<128xi32, #tpu.memory_space<hbm>>
        tpu.enqueue_dma source(%dma_start3A_727 : memref<128xi32, #tpu.memory_space<hbm>>) target(%dma_start3A_726 : memref<128xi32, #tpu.memory_space<vmem>>) target_semaphore(%arg11 : memref<!tpu.dma_semaphore, #tpu.memory_space<semaphore_mem>>)
      } else {
      }
    }
    %scan3A_96 = arith.constant 100 : i32
    %dma_wait3A = arith.constant 4 : i32
    %dma_wait3A_97 = arith.constant 0 : i32
    %dma_wait3A_98 = arith.constant 0 : i32
    %dma_wait3A_99 = tpu.memref_slice %arg6[%dma_wait3A, %dma_wait3A_97, %dma_wait3A_98] : memref<8x128x64xf32, #tpu.memory_space<vmem>> -> memref<1x128x64xf32, #tpu.memory_space<vmem>>
    %dma_wait3A_100 = tpu.memref_squeeze %dma_wait3A_99 : memref<1x128x64xf32, #tpu.memory_space<vmem>> -> memref<128x64xf32, #tpu.memory_space<vmem>>
    %dma_wait3A_101 = arith.constant 0 : i32
    %dma_wait3A_102 = tpu.memref_slice %arg4[%mul3A_2, %dma_wait3A_101] : memref<3276800x64xf32, #tpu.memory_space<hbm>> -> memref<128x64xf32, #tpu.memory_space<hbm>>
    %dma_wait3A_103 = arith.constant 0 : i32
    %dma_wait3A_104 = arith.constant 0 : i32
    %dma_wait3A_105 = tpu.memref_slice %arg6[%dma_wait3A, %dma_wait3A_103, %dma_wait3A_104] : memref<8x128x64xf32, #tpu.memory_space<vmem>> -> memref<1x128x64xf32, #tpu.memory_space<vmem>>
    %dma_wait3A_106 = tpu.memref_squeeze %dma_wait3A_105 : memref<1x128x64xf32, #tpu.memory_space<vmem>> -> memref<128x64xf32, #tpu.memory_space<vmem>>
    %dma_wait3A_107 = arith.constant 0 : i32
    %dma_wait3A_108 = tpu.memref_slice %arg4[%mul3A_2, %dma_wait3A_107] : memref<3276800x64xf32, #tpu.memory_space<hbm>> -> memref<128x64xf32, #tpu.memory_space<hbm>>
    tpu.wait_dma2 semaphore(%arg20 : memref<!tpu.dma_semaphore, #tpu.memory_space<semaphore_mem>>) src(%dma_wait3A_108 : memref<128x64xf32, #tpu.memory_space<hbm>>) dst(%dma_wait3A_106 : memref<128x64xf32, #tpu.memory_space<vmem>>)
    %add3A_109 = arith.constant 101888 : i32
    %add3A_110 = arith.addi %mul3A_2, %add3A_109 : i32
    %dma_start3A_111 = arith.constant 4 : i32
    %dma_start3A_112 = arith.constant 0 : i32
    %dma_start3A_113 = arith.constant 0 : i32
    %dma_start3A_114 = tpu.memref_slice %arg6[%dma_start3A_111, %dma_start3A_112, %dma_start3A_113] : memref<8x128x64xf32, #tpu.memory_space<vmem>> -> memref<1x128x64xf32, #tpu.memory_space<vmem>>
    %dma_start3A_115 = tpu.memref_squeeze %dma_start3A_114 : memref<1x128x64xf32, #tpu.memory_space<vmem>> -> memref<128x64xf32, #tpu.memory_space<vmem>>
    %dma_start3A_116 = arith.constant 0 : i32
    %dma_start3A_117 = tpu.memref_slice %arg4[%add3A_110, %dma_start3A_116] : memref<3276800x64xf32, #tpu.memory_space<hbm>> -> memref<128x64xf32, #tpu.memory_space<hbm>>
    %dma_start3A_118 = arith.constant 0 : i32
    %dma_start3A_119 = tpu.memref_slice %arg4[%add3A_110, %dma_start3A_118] : memref<3276800x64xf32, #tpu.memory_space<hbm>> -> memref<128x64xf32, #tpu.memory_space<hbm>>
    %dma_start3A_120 = arith.constant 0 : i32
    %dma_start3A_121 = arith.constant 0 : i32
    %dma_start3A_122 = tpu.memref_slice %arg6[%dma_start3A_111, %dma_start3A_120, %dma_start3A_121] : memref<8x128x64xf32, #tpu.memory_space<vmem>> -> memref<1x128x64xf32, #tpu.memory_space<vmem>>
    %dma_start3A_123 = tpu.memref_squeeze %dma_start3A_122 : memref<1x128x64xf32, #tpu.memory_space<vmem>> -> memref<128x64xf32, #tpu.memory_space<vmem>>
    tpu.enqueue_dma source(%dma_start3A_123 : memref<128x64xf32, #tpu.memory_space<vmem>>) target(%dma_start3A_119 : memref<128x64xf32, #tpu.memory_space<hbm>>) target_semaphore(%arg28 : memref<!tpu.dma_semaphore, #tpu.memory_space<semaphore_mem>>)
    %dma_wait3A_124 = arith.constant 5 : i32
    %dma_wait3A_125 = arith.constant 0 : i32
    %dma_wait3A_126 = arith.constant 0 : i32
    %dma_wait3A_127 = tpu.memref_slice %arg6[%dma_wait3A_124, %dma_wait3A_125, %dma_wait3A_126] : memref<8x128x64xf32, #tpu.memory_space<vmem>> -> memref<1x128x64xf32, #tpu.memory_space<vmem>>
    %dma_wait3A_128 = tpu.memref_squeeze %dma_wait3A_127 : memref<1x128x64xf32, #tpu.memory_space<vmem>> -> memref<128x64xf32, #tpu.memory_space<vmem>>
    %dma_wait3A_129 = arith.constant 0 : i32
    %dma_wait3A_130 = tpu.memref_slice %arg4[%mul3A_2, %dma_wait3A_129] : memref<3276800x64xf32, #tpu.memory_space<hbm>> -> memref<128x64xf32, #tpu.memory_space<hbm>>
    %dma_wait3A_131 = arith.constant 0 : i32
    %dma_wait3A_132 = arith.constant 0 : i32
    %dma_wait3A_133 = tpu.memref_slice %arg6[%dma_wait3A_124, %dma_wait3A_131, %dma_wait3A_132] : memref<8x128x64xf32, #tpu.memory_space<vmem>> -> memref<1x128x64xf32, #tpu.memory_space<vmem>>
    %dma_wait3A_134 = tpu.memref_squeeze %dma_wait3A_133 : memref<1x128x64xf32, #tpu.memory_space<vmem>> -> memref<128x64xf32, #tpu.memory_space<vmem>>
    %dma_wait3A_135 = arith.constant 0 : i32
    %dma_wait3A_136 = tpu.memref_slice %arg4[%mul3A_2, %dma_wait3A_135] : memref<3276800x64xf32, #tpu.memory_space<hbm>> -> memref<128x64xf32, #tpu.memory_space<hbm>>
    tpu.wait_dma2 semaphore(%arg21 : memref<!tpu.dma_semaphore, #tpu.memory_space<semaphore_mem>>) src(%dma_wait3A_136 : memref<128x64xf32, #tpu.memory_space<hbm>>) dst(%dma_wait3A_134 : memref<128x64xf32, #tpu.memory_space<vmem>>)
    %add3A_137 = arith.constant 102016 : i32
    %add3A_138 = arith.addi %mul3A_2, %add3A_137 : i32
    %dma_start3A_139 = arith.constant 5 : i32
    %dma_start3A_140 = arith.constant 0 : i32
    %dma_start3A_141 = arith.constant 0 : i32
    %dma_start3A_142 = tpu.memref_slice %arg6[%dma_start3A_139, %dma_start3A_140, %dma_start3A_141] : memref<8x128x64xf32, #tpu.memory_space<vmem>> -> memref<1x128x64xf32, #tpu.memory_space<vmem>>
    %dma_start3A_143 = tpu.memref_squeeze %dma_start3A_142 : memref<1x128x64xf32, #tpu.memory_space<vmem>> -> memref<128x64xf32, #tpu.memory_space<vmem>>
    %dma_start3A_144 = arith.constant 0 : i32
    %dma_start3A_145 = tpu.memref_slice %arg4[%add3A_138, %dma_start3A_144] : memref<3276800x64xf32, #tpu.memory_space<hbm>> -> memref<128x64xf32, #tpu.memory_space<hbm>>
    %dma_start3A_146 = arith.constant 0 : i32
    %dma_start3A_147 = tpu.memref_slice %arg4[%add3A_138, %dma_start3A_146] : memref<3276800x64xf32, #tpu.memory_space<hbm>> -> memref<128x64xf32, #tpu.memory_space<hbm>>
    %dma_start3A_148 = arith.constant 0 : i32
    %dma_start3A_149 = arith.constant 0 : i32
    %dma_start3A_150 = tpu.memref_slice %arg6[%dma_start3A_139, %dma_start3A_148, %dma_start3A_149] : memref<8x128x64xf32, #tpu.memory_space<vmem>> -> memref<1x128x64xf32, #tpu.memory_space<vmem>>
    %dma_start3A_151 = tpu.memref_squeeze %dma_start3A_150 : memref<1x128x64xf32, #tpu.memory_space<vmem>> -> memref<128x64xf32, #tpu.memory_space<vmem>>
    tpu.enqueue_dma source(%dma_start3A_151 : memref<128x64xf32, #tpu.memory_space<vmem>>) target(%dma_start3A_147 : memref<128x64xf32, #tpu.memory_space<hbm>>) target_semaphore(%arg29 : memref<!tpu.dma_semaphore, #tpu.memory_space<semaphore_mem>>)
    %dma_wait3A_152 = arith.constant 6 : i32
    %dma_wait3A_153 = arith.constant 0 : i32
    %dma_wait3A_154 = arith.constant 0 : i32
    %dma_wait3A_155 = tpu.memref_slice %arg6[%dma_wait3A_152, %dma_wait3A_153, %dma_wait3A_154] : memref<8x128x64xf32, #tpu.memory_space<vmem>> -> memref<1x128x64xf32, #tpu.memory_space<vmem>>
    %dma_wait3A_156 = tpu.memref_squeeze %dma_wait3A_155 : memref<1x128x64xf32, #tpu.memory_space<vmem>> -> memref<128x64xf32, #tpu.memory_space<vmem>>
    %dma_wait3A_157 = arith.constant 0 : i32
    %dma_wait3A_158 = tpu.memref_slice %arg4[%mul3A_2, %dma_wait3A_157] : memref<3276800x64xf32, #tpu.memory_space<hbm>> -> memref<128x64xf32, #tpu.memory_space<hbm>>
    %dma_wait3A_159 = arith.constant 0 : i32
    %dma_wait3A_160 = arith.constant 0 : i32
    %dma_wait3A_161 = tpu.memref_slice %arg6[%dma_wait3A_152, %dma_wait3A_159, %dma_wait3A_160] : memref<8x128x64xf32, #tpu.memory_space<vmem>> -> memref<1x128x64xf32, #tpu.memory_space<vmem>>
    %dma_wait3A_162 = tpu.memref_squeeze %dma_wait3A_161 : memref<1x128x64xf32, #tpu.memory_space<vmem>> -> memref<128x64xf32, #tpu.memory_space<vmem>>
    %dma_wait3A_163 = arith.constant 0 : i32
    %dma_wait3A_164 = tpu.memref_slice %arg4[%mul3A_2, %dma_wait3A_163] : memref<3276800x64xf32, #tpu.memory_space<hbm>> -> memref<128x64xf32, #tpu.memory_space<hbm>>
    tpu.wait_dma2 semaphore(%arg22 : memref<!tpu.dma_semaphore, #tpu.memory_space<semaphore_mem>>) src(%dma_wait3A_164 : memref<128x64xf32, #tpu.memory_space<hbm>>) dst(%dma_wait3A_162 : memref<128x64xf32, #tpu.memory_space<vmem>>)
    %add3A_165 = arith.constant 102144 : i32
    %add3A_166 = arith.addi %mul3A_2, %add3A_165 : i32
    %dma_start3A_167 = arith.constant 6 : i32
    %dma_start3A_168 = arith.constant 0 : i32
    %dma_start3A_169 = arith.constant 0 : i32
    %dma_start3A_170 = tpu.memref_slice %arg6[%dma_start3A_167, %dma_start3A_168, %dma_start3A_169] : memref<8x128x64xf32, #tpu.memory_space<vmem>> -> memref<1x128x64xf32, #tpu.memory_space<vmem>>
    %dma_start3A_171 = tpu.memref_squeeze %dma_start3A_170 : memref<1x128x64xf32, #tpu.memory_space<vmem>> -> memref<128x64xf32, #tpu.memory_space<vmem>>
    %dma_start3A_172 = arith.constant 0 : i32
    %dma_start3A_173 = tpu.memref_slice %arg4[%add3A_166, %dma_start3A_172] : memref<3276800x64xf32, #tpu.memory_space<hbm>> -> memref<128x64xf32, #tpu.memory_space<hbm>>
    %dma_start3A_174 = arith.constant 0 : i32
    %dma_start3A_175 = tpu.memref_slice %arg4[%add3A_166, %dma_start3A_174] : memref<3276800x64xf32, #tpu.memory_space<hbm>> -> memref<128x64xf32, #tpu.memory_space<hbm>>
    %dma_start3A_176 = arith.constant 0 : i32
    %dma_start3A_177 = arith.constant 0 : i32
    %dma_start3A_178 = tpu.memref_slice %arg6[%dma_start3A_167, %dma_start3A_176, %dma_start3A_177] : memref<8x128x64xf32, #tpu.memory_space<vmem>> -> memref<1x128x64xf32, #tpu.memory_space<vmem>>
    %dma_start3A_179 = tpu.memref_squeeze %dma_start3A_178 : memref<1x128x64xf32, #tpu.memory_space<vmem>> -> memref<128x64xf32, #tpu.memory_space<vmem>>
    tpu.enqueue_dma source(%dma_start3A_179 : memref<128x64xf32, #tpu.memory_space<vmem>>) target(%dma_start3A_175 : memref<128x64xf32, #tpu.memory_space<hbm>>) target_semaphore(%arg30 : memref<!tpu.dma_semaphore, #tpu.memory_space<semaphore_mem>>)
    %dma_wait3A_180 = arith.constant 7 : i32
    %dma_wait3A_181 = arith.constant 0 : i32
    %dma_wait3A_182 = arith.constant 0 : i32
    %dma_wait3A_183 = tpu.memref_slice %arg6[%dma_wait3A_180, %dma_wait3A_181, %dma_wait3A_182] : memref<8x128x64xf32, #tpu.memory_space<vmem>> -> memref<1x128x64xf32, #tpu.memory_space<vmem>>
    %dma_wait3A_184 = tpu.memref_squeeze %dma_wait3A_183 : memref<1x128x64xf32, #tpu.memory_space<vmem>> -> memref<128x64xf32, #tpu.memory_space<vmem>>
    %dma_wait3A_185 = arith.constant 0 : i32
    %dma_wait3A_186 = tpu.memref_slice %arg4[%mul3A_2, %dma_wait3A_185] : memref<3276800x64xf32, #tpu.memory_space<hbm>> -> memref<128x64xf32, #tpu.memory_space<hbm>>
    %dma_wait3A_187 = arith.constant 0 : i32
    %dma_wait3A_188 = arith.constant 0 : i32
    %dma_wait3A_189 = tpu.memref_slice %arg6[%dma_wait3A_180, %dma_wait3A_187, %dma_wait3A_188] : memref<8x128x64xf32, #tpu.memory_space<vmem>> -> memref<1x128x64xf32, #tpu.memory_space<vmem>>
    %dma_wait3A_190 = tpu.memref_squeeze %dma_wait3A_189 : memref<1x128x64xf32, #tpu.memory_space<vmem>> -> memref<128x64xf32, #tpu.memory_space<vmem>>
    %dma_wait3A_191 = arith.constant 0 : i32
    %dma_wait3A_192 = tpu.memref_slice %arg4[%mul3A_2, %dma_wait3A_191] : memref<3276800x64xf32, #tpu.memory_space<hbm>> -> memref<128x64xf32, #tpu.memory_space<hbm>>
    tpu.wait_dma2 semaphore(%arg23 : memref<!tpu.dma_semaphore, #tpu.memory_space<semaphore_mem>>) src(%dma_wait3A_192 : memref<128x64xf32, #tpu.memory_space<hbm>>) dst(%dma_wait3A_190 : memref<128x64xf32, #tpu.memory_space<vmem>>)
    %add3A_193 = arith.constant 102272 : i32
    %add3A_194 = arith.addi %mul3A_2, %add3A_193 : i32
    %dma_start3A_195 = arith.constant 7 : i32
    %dma_start3A_196 = arith.constant 0 : i32
    %dma_start3A_197 = arith.constant 0 : i32
    %dma_start3A_198 = tpu.memref_slice %arg6[%dma_start3A_195, %dma_start3A_196, %dma_start3A_197] : memref<8x128x64xf32, #tpu.memory_space<vmem>> -> memref<1x128x64xf32, #tpu.memory_space<vmem>>
    %dma_start3A_199 = tpu.memref_squeeze %dma_start3A_198 : memref<1x128x64xf32, #tpu.memory_space<vmem>> -> memref<128x64xf32, #tpu.memory_space<vmem>>
    %dma_start3A_200 = arith.constant 0 : i32
    %dma_start3A_201 = tpu.memref_slice %arg4[%add3A_194, %dma_start3A_200] : memref<3276800x64xf32, #tpu.memory_space<hbm>> -> memref<128x64xf32, #tpu.memory_space<hbm>>
    %dma_start3A_202 = arith.constant 0 : i32
    %dma_start3A_203 = tpu.memref_slice %arg4[%add3A_194, %dma_start3A_202] : memref<3276800x64xf32, #tpu.memory_space<hbm>> -> memref<128x64xf32, #tpu.memory_space<hbm>>
    %dma_start3A_204 = arith.constant 0 : i32
    %dma_start3A_205 = arith.constant 0 : i32
    %dma_start3A_206 = tpu.memref_slice %arg6[%dma_start3A_195, %dma_start3A_204, %dma_start3A_205] : memref<8x128x64xf32, #tpu.memory_space<vmem>> -> memref<1x128x64xf32, #tpu.memory_space<vmem>>
    %dma_start3A_207 = tpu.memref_squeeze %dma_start3A_206 : memref<1x128x64xf32, #tpu.memory_space<vmem>> -> memref<128x64xf32, #tpu.memory_space<vmem>>
    tpu.enqueue_dma source(%dma_start3A_207 : memref<128x64xf32, #tpu.memory_space<vmem>>) target(%dma_start3A_203 : memref<128x64xf32, #tpu.memory_space<hbm>>) target_semaphore(%arg31 : memref<!tpu.dma_semaphore, #tpu.memory_space<semaphore_mem>>)
    %dma_wait3A_208 = arith.constant 0 : i32
    %dma_wait3A_209 = arith.constant 0 : i32
    %dma_wait3A_210 = arith.constant 0 : i32
    %dma_wait3A_211 = tpu.memref_slice %arg6[%dma_wait3A_208, %dma_wait3A_209, %dma_wait3A_210] : memref<8x128x64xf32, #tpu.memory_space<vmem>> -> memref<1x128x64xf32, #tpu.memory_space<vmem>>
    %dma_wait3A_212 = tpu.memref_squeeze %dma_wait3A_211 : memref<1x128x64xf32, #tpu.memory_space<vmem>> -> memref<128x64xf32, #tpu.memory_space<vmem>>
    %dma_wait3A_213 = arith.constant 0 : i32
    %dma_wait3A_214 = tpu.memref_slice %arg4[%mul3A_2, %dma_wait3A_213] : memref<3276800x64xf32, #tpu.memory_space<hbm>> -> memref<128x64xf32, #tpu.memory_space<hbm>>
    %dma_wait3A_215 = arith.constant 0 : i32
    %dma_wait3A_216 = tpu.memref_slice %arg4[%mul3A_2, %dma_wait3A_215] : memref<3276800x64xf32, #tpu.memory_space<hbm>> -> memref<128x64xf32, #tpu.memory_space<hbm>>
    %dma_wait3A_217 = arith.constant 0 : i32
    %dma_wait3A_218 = arith.constant 0 : i32
    %dma_wait3A_219 = tpu.memref_slice %arg6[%dma_wait3A_208, %dma_wait3A_217, %dma_wait3A_218] : memref<8x128x64xf32, #tpu.memory_space<vmem>> -> memref<1x128x64xf32, #tpu.memory_space<vmem>>
    %dma_wait3A_220 = tpu.memref_squeeze %dma_wait3A_219 : memref<1x128x64xf32, #tpu.memory_space<vmem>> -> memref<128x64xf32, #tpu.memory_space<vmem>>
    tpu.wait_dma2 semaphore(%arg24 : memref<!tpu.dma_semaphore, #tpu.memory_space<semaphore_mem>>) src(%dma_wait3A_220 : memref<128x64xf32, #tpu.memory_space<vmem>>) dst(%dma_wait3A_216 : memref<128x64xf32, #tpu.memory_space<hbm>>)
    %dma_wait3A_221 = arith.constant 1 : i32
    %dma_wait3A_222 = arith.constant 0 : i32
    %dma_wait3A_223 = arith.constant 0 : i32
    %dma_wait3A_224 = tpu.memref_slice %arg6[%dma_wait3A_221, %dma_wait3A_222, %dma_wait3A_223] : memref<8x128x64xf32, #tpu.memory_space<vmem>> -> memref<1x128x64xf32, #tpu.memory_space<vmem>>
    %dma_wait3A_225 = tpu.memref_squeeze %dma_wait3A_224 : memref<1x128x64xf32, #tpu.memory_space<vmem>> -> memref<128x64xf32, #tpu.memory_space<vmem>>
    %dma_wait3A_226 = arith.constant 0 : i32
    %dma_wait3A_227 = tpu.memref_slice %arg4[%mul3A_2, %dma_wait3A_226] : memref<3276800x64xf32, #tpu.memory_space<hbm>> -> memref<128x64xf32, #tpu.memory_space<hbm>>
    %dma_wait3A_228 = arith.constant 0 : i32
    %dma_wait3A_229 = tpu.memref_slice %arg4[%mul3A_2, %dma_wait3A_228] : memref<3276800x64xf32, #tpu.memory_space<hbm>> -> memref<128x64xf32, #tpu.memory_space<hbm>>
    %dma_wait3A_230 = arith.constant 0 : i32
    %dma_wait3A_231 = arith.constant 0 : i32
    %dma_wait3A_232 = tpu.memref_slice %arg6[%dma_wait3A_221, %dma_wait3A_230, %dma_wait3A_231] : memref<8x128x64xf32, #tpu.memory_space<vmem>> -> memref<1x128x64xf32, #tpu.memory_space<vmem>>
    %dma_wait3A_233 = tpu.memref_squeeze %dma_wait3A_232 : memref<1x128x64xf32, #tpu.memory_space<vmem>> -> memref<128x64xf32, #tpu.memory_space<vmem>>
    tpu.wait_dma2 semaphore(%arg25 : memref<!tpu.dma_semaphore, #tpu.memory_space<semaphore_mem>>) src(%dma_wait3A_233 : memref<128x64xf32, #tpu.memory_space<vmem>>) dst(%dma_wait3A_229 : memref<128x64xf32, #tpu.memory_space<hbm>>)
    %dma_wait3A_234 = arith.constant 2 : i32
    %dma_wait3A_235 = arith.constant 0 : i32
    %dma_wait3A_236 = arith.constant 0 : i32
    %dma_wait3A_237 = tpu.memref_slice %arg6[%dma_wait3A_234, %dma_wait3A_235, %dma_wait3A_236] : memref<8x128x64xf32, #tpu.memory_space<vmem>> -> memref<1x128x64xf32, #tpu.memory_space<vmem>>
    %dma_wait3A_238 = tpu.memref_squeeze %dma_wait3A_237 : memref<1x128x64xf32, #tpu.memory_space<vmem>> -> memref<128x64xf32, #tpu.memory_space<vmem>>
    %dma_wait3A_239 = arith.constant 0 : i32
    %dma_wait3A_240 = tpu.memref_slice %arg4[%mul3A_2, %dma_wait3A_239] : memref<3276800x64xf32, #tpu.memory_space<hbm>> -> memref<128x64xf32, #tpu.memory_space<hbm>>
    %dma_wait3A_241 = arith.constant 0 : i32
    %dma_wait3A_242 = tpu.memref_slice %arg4[%mul3A_2, %dma_wait3A_241] : memref<3276800x64xf32, #tpu.memory_space<hbm>> -> memref<128x64xf32, #tpu.memory_space<hbm>>
    %dma_wait3A_243 = arith.constant 0 : i32
    %dma_wait3A_244 = arith.constant 0 : i32
    %dma_wait3A_245 = tpu.memref_slice %arg6[%dma_wait3A_234, %dma_wait3A_243, %dma_wait3A_244] : memref<8x128x64xf32, #tpu.memory_space<vmem>> -> memref<1x128x64xf32, #tpu.memory_space<vmem>>
    %dma_wait3A_246 = tpu.memref_squeeze %dma_wait3A_245 : memref<1x128x64xf32, #tpu.memory_space<vmem>> -> memref<128x64xf32, #tpu.memory_space<vmem>>
    tpu.wait_dma2 semaphore(%arg26 : memref<!tpu.dma_semaphore, #tpu.memory_space<semaphore_mem>>) src(%dma_wait3A_246 : memref<128x64xf32, #tpu.memory_space<vmem>>) dst(%dma_wait3A_242 : memref<128x64xf32, #tpu.memory_space<hbm>>)
    %dma_wait3A_247 = arith.constant 3 : i32
    %dma_wait3A_248 = arith.constant 0 : i32
    %dma_wait3A_249 = arith.constant 0 : i32
    %dma_wait3A_250 = tpu.memref_slice %arg6[%dma_wait3A_247, %dma_wait3A_248, %dma_wait3A_249] : memref<8x128x64xf32, #tpu.memory_space<vmem>> -> memref<1x128x64xf32, #tpu.memory_space<vmem>>
    %dma_wait3A_251 = tpu.memref_squeeze %dma_wait3A_250 : memref<1x128x64xf32, #tpu.memory_space<vmem>> -> memref<128x64xf32, #tpu.memory_space<vmem>>
    %dma_wait3A_252 = arith.constant 0 : i32
    %dma_wait3A_253 = tpu.memref_slice %arg4[%mul3A_2, %dma_wait3A_252] : memref<3276800x64xf32, #tpu.memory_space<hbm>> -> memref<128x64xf32, #tpu.memory_space<hbm>>
    %dma_wait3A_254 = arith.constant 0 : i32
    %dma_wait3A_255 = tpu.memref_slice %arg4[%mul3A_2, %dma_wait3A_254] : memref<3276800x64xf32, #tpu.memory_space<hbm>> -> memref<128x64xf32, #tpu.memory_space<hbm>>
    %dma_wait3A_256 = arith.constant 0 : i32
    %dma_wait3A_257 = arith.constant 0 : i32
    %dma_wait3A_258 = tpu.memref_slice %arg6[%dma_wait3A_247, %dma_wait3A_256, %dma_wait3A_257] : memref<8x128x64xf32, #tpu.memory_space<vmem>> -> memref<1x128x64xf32, #tpu.memory_space<vmem>>
    %dma_wait3A_259 = tpu.memref_squeeze %dma_wait3A_258 : memref<1x128x64xf32, #tpu.memory_space<vmem>> -> memref<128x64xf32, #tpu.memory_space<vmem>>
    tpu.wait_dma2 semaphore(%arg27 : memref<!tpu.dma_semaphore, #tpu.memory_space<semaphore_mem>>) src(%dma_wait3A_259 : memref<128x64xf32, #tpu.memory_space<vmem>>) dst(%dma_wait3A_255 : memref<128x64xf32, #tpu.memory_space<hbm>>)
    %dma_wait3A_260 = arith.constant 4 : i32
    %dma_wait3A_261 = arith.constant 0 : i32
    %dma_wait3A_262 = arith.constant 0 : i32
    %dma_wait3A_263 = tpu.memref_slice %arg6[%dma_wait3A_260, %dma_wait3A_261, %dma_wait3A_262] : memref<8x128x64xf32, #tpu.memory_space<vmem>> -> memref<1x128x64xf32, #tpu.memory_space<vmem>>
    %dma_wait3A_264 = tpu.memref_squeeze %dma_wait3A_263 : memref<1x128x64xf32, #tpu.memory_space<vmem>> -> memref<128x64xf32, #tpu.memory_space<vmem>>
    %dma_wait3A_265 = arith.constant 0 : i32
    %dma_wait3A_266 = tpu.memref_slice %arg4[%mul3A_2, %dma_wait3A_265] : memref<3276800x64xf32, #tpu.memory_space<hbm>> -> memref<128x64xf32, #tpu.memory_space<hbm>>
    %dma_wait3A_267 = arith.constant 0 : i32
    %dma_wait3A_268 = tpu.memref_slice %arg4[%mul3A_2, %dma_wait3A_267] : memref<3276800x64xf32, #tpu.memory_space<hbm>> -> memref<128x64xf32, #tpu.memory_space<hbm>>
    %dma_wait3A_269 = arith.constant 0 : i32
    %dma_wait3A_270 = arith.constant 0 : i32
    %dma_wait3A_271 = tpu.memref_slice %arg6[%dma_wait3A_260, %dma_wait3A_269, %dma_wait3A_270] : memref<8x128x64xf32, #tpu.memory_space<vmem>> -> memref<1x128x64xf32, #tpu.memory_space<vmem>>
    %dma_wait3A_272 = tpu.memref_squeeze %dma_wait3A_271 : memref<1x128x64xf32, #tpu.memory_space<vmem>> -> memref<128x64xf32, #tpu.memory_space<vmem>>
    tpu.wait_dma2 semaphore(%arg28 : memref<!tpu.dma_semaphore, #tpu.memory_space<semaphore_mem>>) src(%dma_wait3A_272 : memref<128x64xf32, #tpu.memory_space<vmem>>) dst(%dma_wait3A_268 : memref<128x64xf32, #tpu.memory_space<hbm>>)
    %dma_wait3A_273 = arith.constant 5 : i32
    %dma_wait3A_274 = arith.constant 0 : i32
    %dma_wait3A_275 = arith.constant 0 : i32
    %dma_wait3A_276 = tpu.memref_slice %arg6[%dma_wait3A_273, %dma_wait3A_274, %dma_wait3A_275] : memref<8x128x64xf32, #tpu.memory_space<vmem>> -> memref<1x128x64xf32, #tpu.memory_space<vmem>>
    %dma_wait3A_277 = tpu.memref_squeeze %dma_wait3A_276 : memref<1x128x64xf32, #tpu.memory_space<vmem>> -> memref<128x64xf32, #tpu.memory_space<vmem>>
    %dma_wait3A_278 = arith.constant 0 : i32
    %dma_wait3A_279 = tpu.memref_slice %arg4[%mul3A_2, %dma_wait3A_278] : memref<3276800x64xf32, #tpu.memory_space<hbm>> -> memref<128x64xf32, #tpu.memory_space<hbm>>
    %dma_wait3A_280 = arith.constant 0 : i32
    %dma_wait3A_281 = tpu.memref_slice %arg4[%mul3A_2, %dma_wait3A_280] : memref<3276800x64xf32, #tpu.memory_space<hbm>> -> memref<128x64xf32, #tpu.memory_space<hbm>>
    %dma_wait3A_282 = arith.constant 0 : i32
    %dma_wait3A_283 = arith.constant 0 : i32
    %dma_wait3A_284 = tpu.memref_slice %arg6[%dma_wait3A_273, %dma_wait3A_282, %dma_wait3A_283] : memref<8x128x64xf32, #tpu.memory_space<vmem>> -> memref<1x128x64xf32, #tpu.memory_space<vmem>>
    %dma_wait3A_285 = tpu.memref_squeeze %dma_wait3A_284 : memref<1x128x64xf32, #tpu.memory_space<vmem>> -> memref<128x64xf32, #tpu.memory_space<vmem>>
    tpu.wait_dma2 semaphore(%arg29 : memref<!tpu.dma_semaphore, #tpu.memory_space<semaphore_mem>>) src(%dma_wait3A_285 : memref<128x64xf32, #tpu.memory_space<vmem>>) dst(%dma_wait3A_281 : memref<128x64xf32, #tpu.memory_space<hbm>>)
    %dma_wait3A_286 = arith.constant 6 : i32
    %dma_wait3A_287 = arith.constant 0 : i32
    %dma_wait3A_288 = arith.constant 0 : i32
    %dma_wait3A_289 = tpu.memref_slice %arg6[%dma_wait3A_286, %dma_wait3A_287, %dma_wait3A_288] : memref<8x128x64xf32, #tpu.memory_space<vmem>> -> memref<1x128x64xf32, #tpu.memory_space<vmem>>
    %dma_wait3A_290 = tpu.memref_squeeze %dma_wait3A_289 : memref<1x128x64xf32, #tpu.memory_space<vmem>> -> memref<128x64xf32, #tpu.memory_space<vmem>>
    %dma_wait3A_291 = arith.constant 0 : i32
    %dma_wait3A_292 = tpu.memref_slice %arg4[%mul3A_2, %dma_wait3A_291] : memref<3276800x64xf32, #tpu.memory_space<hbm>> -> memref<128x64xf32, #tpu.memory_space<hbm>>
    %dma_wait3A_293 = arith.constant 0 : i32
    %dma_wait3A_294 = tpu.memref_slice %arg4[%mul3A_2, %dma_wait3A_293] : memref<3276800x64xf32, #tpu.memory_space<hbm>> -> memref<128x64xf32, #tpu.memory_space<hbm>>
    %dma_wait3A_295 = arith.constant 0 : i32
    %dma_wait3A_296 = arith.constant 0 : i32
    %dma_wait3A_297 = tpu.memref_slice %arg6[%dma_wait3A_286, %dma_wait3A_295, %dma_wait3A_296] : memref<8x128x64xf32, #tpu.memory_space<vmem>> -> memref<1x128x64xf32, #tpu.memory_space<vmem>>
    %dma_wait3A_298 = tpu.memref_squeeze %dma_wait3A_297 : memref<1x128x64xf32, #tpu.memory_space<vmem>> -> memref<128x64xf32, #tpu.memory_space<vmem>>
    tpu.wait_dma2 semaphore(%arg30 : memref<!tpu.dma_semaphore, #tpu.memory_space<semaphore_mem>>) src(%dma_wait3A_298 : memref<128x64xf32, #tpu.memory_space<vmem>>) dst(%dma_wait3A_294 : memref<128x64xf32, #tpu.memory_space<hbm>>)
    %dma_wait3A_299 = arith.constant 7 : i32
    %dma_wait3A_300 = arith.constant 0 : i32
    %dma_wait3A_301 = arith.constant 0 : i32
    %dma_wait3A_302 = tpu.memref_slice %arg6[%dma_wait3A_299, %dma_wait3A_300, %dma_wait3A_301] : memref<8x128x64xf32, #tpu.memory_space<vmem>> -> memref<1x128x64xf32, #tpu.memory_space<vmem>>
    %dma_wait3A_303 = tpu.memref_squeeze %dma_wait3A_302 : memref<1x128x64xf32, #tpu.memory_space<vmem>> -> memref<128x64xf32, #tpu.memory_space<vmem>>
    %dma_wait3A_304 = arith.constant 0 : i32
    %dma_wait3A_305 = tpu.memref_slice %arg4[%mul3A_2, %dma_wait3A_304] : memref<3276800x64xf32, #tpu.memory_space<hbm>> -> memref<128x64xf32, #tpu.memory_space<hbm>>
    %dma_wait3A_306 = arith.constant 0 : i32
    %dma_wait3A_307 = tpu.memref_slice %arg4[%mul3A_2, %dma_wait3A_306] : memref<3276800x64xf32, #tpu.memory_space<hbm>> -> memref<128x64xf32, #tpu.memory_space<hbm>>
    %dma_wait3A_308 = arith.constant 0 : i32
    %dma_wait3A_309 = arith.constant 0 : i32
    %dma_wait3A_310 = tpu.memref_slice %arg6[%dma_wait3A_299, %dma_wait3A_308, %dma_wait3A_309] : memref<8x128x64xf32, #tpu.memory_space<vmem>> -> memref<1x128x64xf32, #tpu.memory_space<vmem>>
    %dma_wait3A_311 = tpu.memref_squeeze %dma_wait3A_310 : memref<1x128x64xf32, #tpu.memory_space<vmem>> -> memref<128x64xf32, #tpu.memory_space<vmem>>
    tpu.wait_dma2 semaphore(%arg31 : memref<!tpu.dma_semaphore, #tpu.memory_space<semaphore_mem>>) src(%dma_wait3A_311 : memref<128x64xf32, #tpu.memory_space<vmem>>) dst(%dma_wait3A_307 : memref<128x64xf32, #tpu.memory_space<hbm>>)
    return
  }
}

</mosaic_0001>

<sc_bundles>
// kernel: _sc_gather.3.cloned.1.call-start
scs
__scs_entry_jumppad:
0x0: {  	(pc) =	sbr.rel $0x88, $3  }
0x1: {  	(tag) =	ssettag $0x0;
	lr =	simm.s32 $0x1  }
0x2: {  	[smem:$0x3F9F] =	sst lr;
	_ =	strace $0xD0000000  }
0x3: {  	_ = 	snop  }
0x4: {  	_ = 	snop  }
0x5: {  	_ = 	snop  }
0x6: {  	_ = 	snop  }
0x7: {  	_ = 	snop  }
__scs_overlays_trampoline_lowered:
0x8: {  	[smem:$0x3FAE] =	sst s0  }
0x9: {  	[smem:$0x3FAF] =	sst s1  }
0xa: {  	[smem:$0x3FB0] =	sst s2  }
0xb: {  	[smem:$0x3FB1] =	sst s3  }
0xc: {  	[smem:$0x3FB2] =	sst s4  }
0xd: {  	[smem:$0x3FB3] =	sst s5  }
0xe: {  	[smem:$0x3FB4] =	sst s6  }
0xf: {  	[smem:$0x3FB5] =	sst s7  }
0x10: {  	[smem:$0x3FB6] =	sst s8  }
0x11: {  	[smem:$0x3FB7] =	sst s9;
	s0 =	simm.s32 @!p0 $0x0  }
0x12: {  	s1 =	sld [smem:$0x3F9D];
	s0 =	simm.s32 @p0 $0x1  }
0x13: {  	[smem:$0x3FB8] =	sst s0;
	s0 =	simm.s32 @!p1 $0x0  }
0x14: {  	s2 =	sld [smem:$0x3F9C];
	s0 =	simm.s32 @p1 $0x1  }
0x15: {  	[smem:$0x3FB9] =	sst s0;
	s0 =	simm.s32 @!p2 $0x0  }
0x16: {  	s3 =	sld [smem:$0x3FDB];
	s0 =	simm.s32 @p2 $0x1  }
0x17: {  	s4 =	simm.s32 $0x1BF5;
	[smem:$0x3FBB] =	sst s0  }
0x18: {  	s0 =	sld [smem:$0x3F9E];
	_ =	swait.ge [sflag:s4], $0x0  }
0x19: {  	s7 =	sld [smem:$0x3F9F]  }
0x1a: {  	s8 =	sadd.s32 $0xFFFFE003, lr  }
0x1b: {  	s9 =	sadd.s32 $0xFFFFFEF7, lr;
	s5 =	simm.s32 $0xFFFFFFFF;
	p2 =	slt.u32 s8, $0xFFFFF086  }
0x1c: {  	p1 =	slt.u32 s9, $0xF7A;
	s5 =	simm.s32 @!p2 $0x0  }
0x1d: {  	s5 =	simm.s32 @p1 $0x1;
	p0 =	seq.s32 s7, s2  }
0x1e: {  	s7 =	smul.u32 @!p0 $0xF7A, s2;
	p2 =	seq.s32 @!p0 s5, $0x0  }
0x1f: {  	s9 =	smul.u32 $0xF7A, s1;
	s8 =	simm.s32 @!p0 $0x1BF5;
	p2 =	por !p2, p0  }
0x20: {  	[sflag:s8] =	ssyncset.s32 @!p0 $0xFFFFF086;
	s6 =	sadd.s32 @!p0 s3, s7;
	s7 =	simm.s32 @!p0 $0x108  }
0x21: {  	s3 =	sadd.s32 s3, s9;
	s6 =	sadd.s32 @!p0 $0x88, s6;
	s7 =	simm.s32 @p2 $0x1082  }
0x22: {  	[simem:s7], [sflag:s8] =	dma.local @!p0 [hbm:s6], $0xF7A  }
0x23: {  	s9 =	sor.u32 $0xD0000000, s2;
	s6 =	simm.s32 $0x108;
	_ =	swait.ge @!p0 [sflag:s8], $0x0  }
0x24: {  	s3 =	sadd.s32 $0x88, s3;
	s6 =	simm.s32 @!p1 $0x1082;
	[sflag:s4] =	ssyncset.s32 $0xFFFFF086  }
0x25: {  	[simem:s6], [sflag:s4] =	dma.local [hbm:s3], $0xF7A  }
0x26: {  	[smem:$0x3F9F] =	sst s1;
	(tag) =	ssettag s2;
	_ =	strace s9  }
0x27: {  	s1 =	sld [smem:$0x3FAF]  }
0x28: {  	s2 =	sld [smem:$0x3FB0]  }
0x29: {  	s4 =	sld [smem:$0x3FB2]  }
0x2a: {  	p0 =	seq.s32 s5, $0x0;
	s5 =	sld [smem:$0x3FB3]  }
0x2b: {  	s6 =	sld [smem:$0x3FB4]  }
0x2c: {  	s7 =	sld [smem:$0x3FB5]  }
0x2d: {  	s3 =	simm.s32 $0x108;
	s8 =	sld [smem:$0x3FB6]  }
0x2e: {  	s3 =	simm.s32 @!p0 $0x1082;
	s9 =	sld [smem:$0x3FB7]  }
0x2f: {  	lr =	sadd.s32 s0, s3;
	s0 =	sld [smem:$0x3FAE]  }
0x30: {  	s3 =	sld [smem:$0x3FB1]  }
0x31: {  	[smem:$0x3FBA] =	sst s10  }
0x32: {  	s10 =	sld [smem:$0x3FB8];
	_ =	sdelay $0x3  }
0x33: {  	p0 =	seq.s32 s10, $0x1;
	s10 =	sld [smem:$0x3FBA];
	_ =	sdelay $0x3  }
0x34: {  	[smem:$0x3FBA] =	sst s10  }
0x35: {  	s10 =	sld [smem:$0x3FB9];
	_ =	sdelay $0x3  }
0x36: {  	p1 =	seq.s32 s10, $0x1;
	s10 =	sld [smem:$0x3FBA];
	_ =	sdelay $0x3  }
0x37: {  	[smem:$0x3FBA] =	sst s10  }
0x38: {  	s10 =	sld [smem:$0x3FBB]  }
0x39: {  	_ = 	snop;
	(pc) =	sbr.ind lr, $3  }
0x3a: {  	_ = 	snop  }
0x3b: {  	_ = 	snop  }
0x3c: {  	p2 =	seq.s32 s10, $0x1;
	s10 =	sld [smem:$0x3FBA]  }
0x3d: {  	_ =	shalt  }
0x3e: {  	_ =	shalt  }
0x3f: {  	_ =	shalt  }
0x40: {  	_ =	shalt  }
0x41: {  	_ =	shalt  }
0x42: {  	_ =	shalt  }
0x43: {  	_ =	shalt  }
0x44: {  	_ =	shalt  }
0x45: {  	_ =	shalt  }
0x46: {  	_ =	shalt  }
0x47: {  	_ =	shalt  }
0x48: {  	_ =	shalt  }
0x49: {  	_ =	shalt  }
0x4a: {  	_ =	shalt  }
0x4b: {  	_ =	shalt  }
0x4c: {  	_ =	shalt  }
0x4d: {  	_ =	shalt  }
0x4e: {  	_ =	shalt  }
0x4f: {  	_ =	shalt  }
0x50: {  	_ =	shalt  }
0x51: {  	_ =	shalt  }
0x52: {  	_ =	shalt  }
0x53: {  	_ =	shalt  }
0x54: {  	_ =	shalt  }
0x55: {  	_ =	shalt  }
0x56: {  	_ =	shalt  }
0x57: {  	_ =	shalt  }
0x58: {  	_ =	shalt  }
0x59: {  	_ =	shalt  }
0x5a: {  	_ =	shalt  }
0x5b: {  	_ =	shalt  }
0x5c: {  	_ =	shalt  }
0x5d: {  	_ =	shalt  }
0x5e: {  	_ =	shalt  }
0x5f: {  	_ =	shalt  }
0x60: {  	_ =	shalt  }
0x61: {  	_ =	shalt  }
0x62: {  	_ =	shalt  }
0x63: {  	_ =	shalt  }
0x64: {  	_ =	shalt  }
0x65: {  	_ =	shalt  }
0x66: {  	_ =	shalt  }
0x67: {  	_ =	shalt  }
0x68: {  	_ =	shalt  }
0x69: {  	_ =	shalt  }
0x6a: {  	_ =	shalt  }
0x6b: {  	_ =	shalt  }
0x6c: {  	_ =	shalt  }
0x6d: {  	_ =	shalt  }
0x6e: {  	_ =	shalt  }
0x6f: {  	_ =	shalt  }
0x70: {  	_ =	shalt  }
0x71: {  	_ =	shalt  }
0x72: {  	_ =	shalt  }
0x73: {  	_ =	shalt  }
0x74: {  	_ =	shalt  }
0x75: {  	_ =	shalt  }
0x76: {  	_ =	shalt  }
0x77: {  	_ =	shalt  }
0x78: {  	_ =	shalt  }
0x79: {  	_ =	shalt  }
0x7a: {  	_ =	shalt  }
0x7b: {  	_ =	shalt  }
0x7c: {  	_ =	shalt  }
0x7d: {  	_ =	shalt  }
0x7e: {  	_ =	shalt  }
0x7f: {  	_ =	shalt  }
0x80: {  	_ =	shalt  }
0x81: {  	_ =	shalt  }
0x82: {  	_ =	shalt  }
0x83: {  	_ =	shalt  }
0x84: {  	_ =	shalt  }
0x85: {  	_ =	shalt  }
0x86: {  	_ =	shalt  }
0x87: {  	_ =	shalt  }
.Lfunc_end0:
.L_simem_size_0:
called_computation.1_lowered:
.L_overlay_start_0:
0x88: {  	s2 =	sld [smem:$0x3FD9]  }
0x89: {  	s3 =	sld [smem:$0x3FFE];
	_ =	sdelay $0x1  }
0x8a: {  	s1 =	srdreg.scid  }
0x8b: {  	s0 =	sand.u32 $0x1, s1  }
0x8c: {  	s17 =	sshll.u32 s0, $0xA;
	s2 =	sadd.s32 s3, s2  }
0x8d: {  	s2 =	sadd.s32 s2, s17  }
0x8e: {  	[smem:$0x3FC6] =	sst s2  }
0x8f: {  	_ = 	snop  }
0x90: {  	s2 =	sld [smem:$0x3FC9]  }
0x91: {  	s18 =	sld [smem:$0x3FD0];
	(tm) =	ssettm $0x1  }
0x92: {  	s4 =	sld [smem:$0x3FFB];
	_ =	sdelay $0x3  }
0x93: {  	_ =	strace s4  }
0x94: {  	s4 =	sld [smem:$0x3FFC];
	_ =	sdelay $0x3  }
0x95: {  	_ =	strace s4  }
0x96: {  	s4 =	sld [smem:$0x3FFD];
	_ =	sdelay $0x3  }
0x97: {  	_ =	strace s4  }
0x98: {  	_ =	strace $0x8FFFFFFF  }
0x99: {  	s19 =	sld [smem:$0x3FDB];
	_ =	sdelay $0x1  }
0x9a: {  	s5 =	simm.s32 $_scs_section_size  }
0x9b: {  	s6 =	simm.s32 $_size__tile_overlayer_lowered;
	s7 =	simm.s32 $_tile_overlayer_lowered  }
0x9c: {  	s22 =	simm.s32 $0x1BFF;
	s21 =	sshll.u32 s7, $0x1;
	s4 =	sadd.s32 s5, s19  }
0x9d: {  	s8 =	simm.s32 $0x0;
	s20 =	sshll.u32 s6, $0x1;
	s6 =	sadd.s32 s21, s4  }
0x9e: {  	[timem:s8], [sflag:s22] =	dma.local [hbm:s6], s20  }
0x9f: {  	_ =	swait.ge [sflag:s22], s20  }
0xa0: {  	s5 =	ssub.s32 $0x0, s20;
	[sflag:s22] =	ssyncset.done $0x0  }
0xa1: {  	[sflag:s22] =	ssyncadd.s32 s5;
	_ =	sdelay $0x1  }
0xa2: {  	s23 =	simm.s32 $0x1B8B  }
0xa3: {  	_ =	swait.ge [sflag:s23], $0x1  }
0xa4: {  	[sflag:s23] =	ssyncset.done $0x0  }
0xa5: {  	s25 =	simm.s32 $0x1B8E;
	s24 =	sld [smem:$0x3FFE];
	[sflag:s23] =	ssyncadd.s32 $0xFFFFFFFF  }
0xa6: {  	s26 =	simm.s32 $execute0_lowered;
	[smem:$0x3FD2] =	sst s25  }
0xa7: {  	s6 =	sshll.u32 s26, $0x1;
	_ =	strace $0x80000046;
	[dreg:$0x1] =	wrdreg $0xFFFFFFFF  }
0xa8: {  	s28 =	simm.s32 $_size_execute0_lowered;
	s4 =	sadd.s32 s4, s6;
	[dreg:$0x0] =	wrdreg $0x0  }
0xa9: {  	s6 =	sshll.u32 s28, $0x1;
	[dreg:$0x2] =	wrdreg s4  }
0xaa: {  	[dreg:$0x3] =	wrdreg s6  }
0xab: {  	[dreg:$0x4] =	wrdreg $0xC0  }
0xac: {  	_ =	task [dreg:s8], $0x5FFFF  }
0xad: {  	[dreg:$0x1] =	wrdreg $0xFFFFFFFF  }
0xae: {  	[dreg:$0x0] =	wrdreg $0x60  }
0xaf: {  	[dreg:$0x2] =	wrdreg s2  }
0xb0: {  	[dreg:$0x3] =	wrdreg s24  }
0xb1: {  	[dreg:$0x4] =	wrdreg s18  }
0xb2: {  	[dreg:$0x5] =	wrdreg $0x104000  }
0xb3: {  	[dreg:$0x6] =	wrdreg $0x9  }
0xb4: {  	_ =	task.clear_ibuf [dreg:s8], $0x7FFFF;
	_ =	strace $0x90000046  }
0xb5: {  	s29 =	simm.s32 $0x9;
	_ =	strace $0x80000048  }
0xb6: {  	_ =	swait.ge [sflag:s29], $0x1  }
0xb7: {  	[sflag:s29] =	ssyncadd.s32 $0xFFFFFFFF  }
0xb8: {  	_ =	strace $0x90000048  }
0xb9: {  	_ =	sfence  }
0xba: {  	s30 =	sld [smem:$0x0];
	_ =	sdelay $0x2  }
0xbb: {  	s31 =	sshll.u32 s1, $0xD;
	s1 =	sshrl.u32 s1, $0x2  }
0xbc: {  	s3 =	sand.u32 $0x4000, s31;
	s1 =	sadd.s32 s1, s30  }
0xbd: {  	s0 =	sor.u32 s3, s0;
	s1 =	sshll.u32 s1, $0x11  }
0xbe: {  	s0 =	sor.u32 s1, s0  }
0xbf: {  	s0 =	sadd.s32 $0x8F2B, s0  }
0xc0: {  	[sflag:s0] =	ssyncadd.remote.s32 $0x1  }
0xc1: {  	_ =	sfence.sel $0xFFFF  }
0xc2: {  	[dreg:$0x0] =	wrdreg $0xFFFFFFFF;
	(pc) =	sbr.abs _section_cstart, $3  }
0xc3: {  	[dreg:$0x1] =	wrdreg $0xFFFFFFFF  }
0xc4: {  	_ =	task.clear_ibuf [dreg:s8], $0x2FFFF;
	_ =	strace $0x9FFFFFFF  }
0xc5: {  	(tm) =	ssettm $0x7FFFFFFF  }
tec
execute0_lowered:
.L_overlay_start_1:
0x0: {  	(tag) =	ssettag $0x1  }
0x1: {  	s10 =	rddreg [dreg:$0x0]  }
0x2: {  	s0 =	rddreg [dreg:$0x1]  }
0x3: {  	s1 =	rddreg [dreg:$0x2]  }
0x4: {  	s2 =	srdreg.scid;
	s5 =	stileid.u32  }
0x5: {  	s3 =	rddreg [dreg:$0x3];
	s4 =	simm.s32 $0x0;
	s28 =	simm.s32 $0x6400  }
0x6: {  	s29 =	simm.s32 $0x5;
	s31 =	simm.s32 $0x9;
	s9 =	smul.u32 $0xC80000, s5  }
0x7: {  	s30 =	simm.s32 $0x8;
	s2 =	sand.u32 $0x1, s2;
	s14 =	smul.u32 $0x32000, s5  }
0x8: {  	s6 =	sshll.u32 s5, $0x1;
	[smem:$0x7FF] =	sst s4;
	s25 =	smul.u32 $0x190000, s5  }
0x9: {  	s0 =	sadd.s32 $0x800, s0;
	p0 =	sne.s32 s5, $0x0;
	s13 =	smul.u32 $0x640000, s2  }
0xa: {  	s5 =	simm.s32 $0x180;
	s6 =	sor.u32 s2, s6;
	s15 =	smul.u32 $0x19000, s2  }
0xb: {  	_ =	strace $0x80000047;
	s8 =	ssub.s32 $0x2, s2;
	s7 =	smul.u32 $0x19000, s6  }
0xc: {  	[dreg:$0x5] =	wrdreg s0;
	s6 =	smul.u32 $0x640000, s6;
	s12 =	sshrl.u32 s8, $0x1  }
0xd: {  	s0 =	ssub.s32 s8, s12;
	s18 =	sadd.s32 s13, s9;
	s9 =	smul.u32 $0xC8000, s2  }
0xe: {  	s8 =	simm.s32 $0xA;
	s7 =	sshrl.u32 s7, $0x3;
	s6 =	sshrl.u32 s6, $0x3  }
0xf: {  	s0 =	smax.u32 s0, $0x1;
	s19 =	sshrl.u32 s18, $0x3;
	s11 =	sadd.s32 s10, s7  }
0x10: {  	s6 =	sadd.s32 s1, s6;
	[dreg:$0xc] =	wrdreg s0;
	s0 =	sadd.s32 s19, s1  }
0x11: {  	s7 =	sadd.s32 s15, s14;
	s10 =	sadd.s32 $0x10, s11;
	[dreg:$0xd] =	wrdreg s0  }
0x12: {  	s12 =	sadd.s32 $0xC7000, s6;
	s16 =	sadd.s32 $0xC7400, s6;
	[dreg:$0x6] =	wrdreg s11  }
0x13: {  	s17 =	sadd.s32 $0xC7800, s6;
	s6 =	sadd.s32 $0xC7C00, s6;
	[dreg:$0x7] =	wrdreg s10  }
0x14: {  	s20 =	sshll.u32 s7, $0x3;
	s21 =	sor.u32 $0x580, s7;
	[dreg:$0x8] =	wrdreg s12  }
0x15: {  	s23 =	sor.u32 $0x500, s7;
	s24 =	sor.u32 $0x480, s7;
	[dreg:$0x9] =	wrdreg s16  }
0x16: {  	s13 =	sor.u32 $0x380, s7;
	s15 =	sor.u32 $0x300, s7;
	[dreg:$0xa] =	wrdreg s17  }
0x17: {  	s18 =	sadd.s32 $0x20, s11;
	s19 =	sadd.s32 $0x30, s11;
	[dreg:$0xb] =	wrdreg s6  }
0x18: {  	s6 =	sadd.s32 s20, s1;
	s0 =	sshrl.u32 s21, $0x3;
	[dreg:$0x17] =	wrdreg s18  }
0x19: {  	s12 =	sor.u32 $0x400, s7;
	s14 =	sshrl.u32 s13, $0x3;
	[dreg:$0x18] =	wrdreg s19  }
0x1a: {  	s16 =	sor.u32 $0x280, s7;
	s17 =	sor.u32 $0x200, s7;
	[dreg:$0xe] =	wrdreg s0  }
0x1b: {  	s20 =	sadd.s32 $0x40, s11;
	s21 =	sadd.s32 $0x50, s11;
	[dreg:$0x15] =	wrdreg s14  }
0x1c: {  	s7 =	simm.s32 $0x16;
	s13 =	simm.s32 $0x18;
	[dreg:$0x19] =	wrdreg s20  }
0x1d: {  	s22 =	sadd.s32 $0xC00, s6;
	s0 =	sshrl.u32 s23, $0x3;
	[dreg:$0x1a] =	wrdreg s21  }
0x1e: {  	s26 =	sadd.s32 $0x800, s6;
	s10 =	sadd.s32 $0x400, s6;
	[dreg:$0xf] =	wrdreg s22  }
0x1f: {  	s2 =	sshrl.u32 s12, $0x3;
	s23 =	sshrl.u32 s15, $0x3;
	[dreg:$0x10] =	wrdreg s0  }
0x20: {  	s12 =	simm.s32 $0x2400;
	s6 =	simm.s32 $0x6;
	[dreg:$0x11] =	wrdreg s26  }
0x21: {  	s14 =	simm.s32 $0x17;
	s0 =	sshrl.u32 s24, $0x3;
	[dreg:$0x13] =	wrdreg s10  }
0x22: {  	[dreg:$0x14] =	wrdreg s2;
	s24 =	sshrl.u32 s16, $0x3;
	s22 =	sadd.s32 $0x60, s11  }
.Ltmp0:
0x23: {  	s26 =	sadd.s32 $0x70, s11;
	s11 =	simm.s32 $0x2;
	(pc) =	sbr.rel .LBB2_1-.Ltmp0, $4  }
0x24: {  	s2 =	simm.s32 $0x7;
	s10 =	simm.s32 $0xB;
	[dreg:$0x12] =	wrdreg s0  }
0x25: {  	s16 =	simm.s32 $0x0;
	s0 =	sadd.s32 s9, s25;
	[dreg:$0x1b] =	wrdreg s22  }
0x26: {  	s25 =	sshrl.u32 s17, $0x3;
	[dreg:$0x1c] =	wrdreg s26;
	s26 =	simm.s32 $0x4  }
0x27: {  	s9 =	simm.s32 $0xC;
	[dreg:$0x16] =	wrdreg s0;
	s0 =	simm.s32 $0x80  }
.LBB2_4:
0x28: {  	s15 =	simm.s32 $0xD  }
0x29: {  	_ =	swait.ge [sflag:s15], $0x2000  }
0x2a: {  	s16 =	simm.s32 $0x8400;
	[sflag:s15] =	ssyncset.done $0x0  }
0x2b: {  	s20 =	simm.s32 $0xE;
	s19 =	rddreg [dreg:$0x8];
	[sflag:s15] =	ssyncadd.s32 $0xFFFFE000  }
0x2c: {  	[hbm4b:s19+s4] =	stream.linear.scatter [tilespmem:s16], [sflag:$0x15], $0x2000, $0x38;
	[tilespmem:$0x104C0] =	vst v63  }
0x2d: {  	_ =	swait.ge [sflag:s20], $0x2000  }
0x2e: {  	s22 =	simm.s32 $0xA400;
	[sflag:s20] =	ssyncset.done $0x0  }
0x2f: {  	s17 =	simm.s32 $0xF;
	s21 =	rddreg [dreg:$0x9];
	[sflag:s20] =	ssyncadd.s32 $0xFFFFE000  }
0x30: {  	[hbm4b:s21+s4] =	stream.linear.scatter [tilespmem:s22], [sflag:$0x16], $0x2000, $0x38;
	[tilespmem:$0x104C0] =	vst v63  }
0x31: {  	_ =	swait.ge [sflag:s17], $0x2000  }
0x32: {  	s19 =	simm.s32 $0xC400;
	[sflag:s17] =	ssyncset.done $0x0  }
0x33: {  	s20 =	simm.s32 $0x10;
	s18 =	rddreg [dreg:$0xa];
	[sflag:s17] =	ssyncadd.s32 $0xFFFFE000  }
0x34: {  	[hbm4b:s18+s4] =	stream.linear.scatter [tilespmem:s19], [sflag:$0x17], $0x2000, $0x38;
	[tilespmem:$0x104C0] =	vst v63  }
0x35: {  	_ =	swait.ge [sflag:s20], $0x2000  }
0x36: {  	s16 =	simm.s32 $0x11;
	[sflag:s20] =	ssyncset.done $0x0  }
0x37: {  	s22 =	simm.s32 $0xE400;
	s21 =	rddreg [dreg:$0xb];
	[sflag:s20] =	ssyncadd.s32 $0xFFFFE000  }
0x38: {  	[hbm4b:s21+s4] =	stream.linear.scatter [tilespmem:s22], [sflag:$0x18], $0x2000, $0x38;
	[tilespmem:$0x104C0] =	vst v63  }
0x39: {  	_ =	swait.ge [sflag:s16], $0x2000  }
0x3a: {  	[sflag:s16] =	ssyncset.done $0x0  }
0x3b: {  	s17 =	simm.s32 $0x12;
	[sflag:s16] =	ssyncadd.s32 $0xFFFFE000  }
0x3c: {  	_ =	swait.ge [sflag:s17], $0x2000  }
0x3d: {  	[sflag:s17] =	ssyncset.done $0x0  }
0x3e: {  	s18 =	simm.s32 $0x13;
	[sflag:s17] =	ssyncadd.s32 $0xFFFFE000  }
0x3f: {  	_ =	swait.ge [sflag:s18], $0x2000  }
0x40: {  	[sflag:s18] =	ssyncset.done $0x0  }
0x41: {  	s19 =	simm.s32 $0x14;
	[sflag:s18] =	ssyncadd.s32 $0xFFFFE000  }
0x42: {  	_ =	swait.ge [sflag:s19], $0x2000  }
0x43: {  	[sflag:s19] =	ssyncset.done $0x0  }
0x44: {  	s20 =	simm.s32 $0x15;
	[sflag:s19] =	ssyncadd.s32 $0xFFFFE000  }
0x45: {  	_ =	swait.ge [sflag:s20], $0x2000  }
0x46: {  	[sflag:s20] =	ssyncset.done $0x0  }
0x47: {  	[sflag:s20] =	ssyncadd.s32 $0xFFFFE000  }
0x48: {  	_ =	swait.ge [sflag:s7], $0x2000  }
0x49: {  	[sflag:s7] =	ssyncset.done $0x0  }
0x4a: {  	[sflag:s7] =	ssyncadd.s32 $0xFFFFE000  }
0x4b: {  	_ =	swait.ge [sflag:s14], $0x2000  }
0x4c: {  	[sflag:s14] =	ssyncset.done $0x0  }
0x4d: {  	[sflag:s14] =	ssyncadd.s32 $0xFFFFE000  }
0x4e: {  	_ =	swait.ge [sflag:s13], $0x2000  }
0x4f: {  	s21 =	rddreg [dreg:$0x1d]  }
0x50: {  	s22 =	rddreg [dreg:$0xc];
	s16 =	sadd.s32 $0x1, s21  }
0x51: {  	p1 =	sne.s32 s16, s22  }
.Ltmp1:
0x52: {  	_ = 	snop;
	(pc) =	sbr.rel @!p1 .LBB2_5-.Ltmp1, $3  }
0x53: {  	_ =	sdelay $0x1  }
0x54: {  	[sflag:s13] =	ssyncset.done $0x0  }
0x55: {  	[sflag:s13] =	ssyncadd.s32 $0xFFFFE000  }
.LBB2_1:
0x56: {  	[dreg:$0x1d] =	wrdreg s16  }
0x57: {  	s15 =	sshrl.u32 @!p0 s3, $0x3;
	s16 =	simm.s32 @!p0 $0x1C19;
	s17 =	rddreg [dreg:$0x5]  }
0x58: {  	[spmem:s15], [sflag:s16] =	dma.local @!p0 [hbm:s17], $0x180  }
0x59: {  	s15 =	simm.s32 @!p0 $0x19  }
0x5a: {  	_ =	swait.ge @!p0 [sflag:s15], $0x180  }
0x5b: {  	[sflag:s15] =	ssyncset.done @!p0 $0x0  }
0x5c: {  	[sflag:s15] =	ssyncadd.s32 @!p0 $0xFFFFFE80  }
0x5d: {  	[bflag:$0x0] =	sbarrier.arrive $0xFFFF  }
0x5e: {  	s16 =	rddreg [dreg:$0x6]  }
0x5f: {  	s17 =	rddreg [dreg:$0x7]  }
0x60: {  	[tilespmem:s4], [sflag:$0x1] =	stream.linear.gather [hbm4b:s16+s4], $0x80, $0x38;
	[tilespmem:$0x104C0] =	vst v63  }
0x61: {  	s18 =	rddreg [dreg:$0x17]  }
0x62: {  	[tilespmem:s0], [sflag:$0x2] =	stream.linear.gather [hbm4b:s17+s4], $0x80, $0x38;
	[tilespmem:$0x104C0] =	vst v63  }
0x63: {  	s19 =	simm.s32 $0x100;
	s20 =	rddreg [dreg:$0x18]  }
0x64: {  	[tilespmem:s19], [sflag:$0x3] =	stream.linear.gather [hbm4b:s18+s4], $0x80, $0x38;
	[tilespmem:$0x104C0] =	vst v63  }
0x65: {  	s21 =	rddreg [dreg:$0x19]  }
0x66: {  	[tilespmem:s5], [sflag:$0x4] =	stream.linear.gather [hbm4b:s20+s4], $0x80, $0x38;
	[tilespmem:$0x104C0] =	vst v63  }
0x67: {  	s22 =	simm.s32 $0x200;
	s15 =	rddreg [dreg:$0x0]  }
0x68: {  	[tilespmem:s22], [sflag:$0x5] =	stream.linear.gather [hbm4b:s21+s4], $0x80, $0x38;
	[tilespmem:$0x104C0] =	vst v63  }
0x69: {  	s17 =	rddreg [dreg:$0x1a];
	s18 =	simm.s32 $0x280  }
0x6a: {  	[tilespmem:s18], [sflag:$0x6] =	stream.linear.gather [hbm4b:s17+s4], $0x80, $0x38;
	[tilespmem:$0x104C0] =	vst v63  }
0x6b: {  	s19 =	rddreg [dreg:$0x1b];
	s20 =	simm.s32 $0x300  }
0x6c: {  	[tilespmem:s20], [sflag:$0x7] =	stream.linear.gather [hbm4b:s19+s4], $0x80, $0x38;
	[tilespmem:$0x104C0] =	vst v63  }
0x6d: {  	s16 =	simm.s32 $0x0;
	s21 =	rddreg [dreg:$0x1c];
	s22 =	simm.s32 $0x380  }
0x6e: {  	[tilespmem:s22], [sflag:$0x8] =	stream.linear.gather [hbm4b:s21+s4], $0x80, $0x38;
	[tilespmem:$0x104C0] =	vst v63  }
.LBB2_2:
0x6f: {  	p1 =	seq.s32 s16, $0x0  }
0x70: {  	s17 =	simm.s32 @p1 $0x1  }
0x71: {  	_ =	swait.ge @p1 [sflag:s17], $0x80  }
0x72: {  	s19 =	simm.s32 @p1 $0x80;
	[sflag:s17] =	ssyncset.done @p1 $0x0  }
0x73: {  	s18 =	simm.s32 @p1 $0x400;
	[sflag:s17] =	ssyncadd.s32 @p1 $0xFFFFFF80;
	s17 =	simm.s32 @p1 $0x0  }
0x74: {  	[tilespmem:s18], [sflag:$0x9] =	stream.indirect.gather @p1 [spmem:s3], $0x40, s17, s19, $0xb8;
	[tilespmem:$0x104C0] =	vst v63  }
0x75: {  	s17 =	simm.s32 @!p1 $0x11  }
0x76: {  	_ =	swait.ge @!p1 [sflag:s17], $0x2000  }
0x77: {  	[sflag:s17] =	ssyncset.done @!p1 $0x0  }
0x78: {  	[sflag:s17] =	ssyncadd.s32 @!p1 $0xFFFFE000;
	s17 =	simm.s32 @!p1 $0x1  }
0x79: {  	_ =	swait.ge @!p1 [sflag:s17], $0x80  }
0x7a: {  	s20 =	simm.s32 @!p1 $0x80;
	[sflag:s17] =	ssyncset.done @!p1 $0x0  }
0x7b: {  	s18 =	simm.s32 @!p1 $0x400;
	[sflag:s17] =	ssyncadd.s32 @!p1 $0xFFFFFF80;
	s17 =	simm.s32 @!p1 $0x0  }
0x7c: {  	[tilespmem:s18], [sflag:$0x9] =	stream.indirect.gather @!p1 [spmem:s3], $0x40, s17, s20, $0xb8;
	[tilespmem:$0x104C0] =	vst v63  }
0x7d: {  	s18 =	rddreg [dreg:$0x16]  }
0x7e: {  	s21 =	simm.s32 @!p1 $0xD;
	s18 =	sadd.s32 @!p1 s16, s18  }
0x7f: {  	_ =	swait.ge @!p1 [sflag:s21], $0x2000;
	s22 =	sadd.s32 @!p1 $0x1FFFF000, s18  }
0x80: {  	[sflag:s21] =	ssyncset.done @!p1 $0x0;
	s22 =	sand.u32 @!p1 $0x1FFFF000, s22  }
0x81: {  	[sflag:s21] =	ssyncadd.s32 @!p1 $0xFFFFE000;
	s21 =	sadd.s32 @!p1 s1, s22;
	s22 =	simm.s32 @!p1 $0x8400  }
0x82: {  	[hbm4b:s21+s17] =	stream.linear.scatter @!p1 [tilespmem:s22], [sflag:$0x15], $0x2000, $0x38;
	[tilespmem:$0x104C0] =	vst v63  }
0x83: {  	s21 =	sadd.s32 @!p1 s15, s25;
	s22 =	simm.s32 @!p1 $0x200  }
0x84: {  	[tilespmem:s22], [sflag:$0x5] =	stream.linear.gather @!p1 [hbm4b:s21+s17], $0x80, $0x38;
	[tilespmem:$0x104C0] =	vst v63  }
0x85: {  	s21 =	simm.s32 @!p1 $0x12  }
0x86: {  	_ =	swait.ge @!p1 [sflag:s21], $0x2000  }
0x87: {  	[sflag:s21] =	ssyncset.done @!p1 $0x0  }
0x88: {  	[sflag:s21] =	ssyncadd.s32 @!p1 $0xFFFFE000  }
0x89: {  	_ =	swait.ge [sflag:s11], $0x80  }
0x8a: {  	[sflag:s11] =	ssyncset.done $0x0  }
0x8b: {  	s21 =	simm.s32 @p1 $0x3;
	[sflag:s11] =	ssyncadd.s32 $0xFFFFFF80  }
0x8c: {  	[tilespmem:s12], [sflag:$0xA] =	stream.indirect.gather [spmem:s3], $0x40, s0, s0, $0xb8;
	[tilespmem:$0x104C0] =	vst v63  }
0x8d: {  	_ =	swait.ge @p1 [sflag:s21], $0x80  }
0x8e: {  	[sflag:s21] =	ssyncset.done @p1 $0x0  }
0x8f: {  	s22 =	simm.s32 @p1 $0x4400;
	[sflag:s21] =	ssyncadd.s32 @p1 $0xFFFFFF80;
	s21 =	simm.s32 @p1 $0x100  }
0x90: {  	[tilespmem:s22], [sflag:$0xB] =	stream.indirect.gather @p1 [spmem:s3], $0x40, s21, s19, $0xb8;
	[tilespmem:$0x104C0] =	vst v63  }
0x91: {  	s19 =	simm.s32 @!p1 $0xE  }
0x92: {  	s21 =	sadd.s32 @!p1 $0x1FFFF400, s18;
	_ =	swait.ge @!p1 [sflag:s19], $0x2000  }
0x93: {  	s21 =	sand.u32 @!p1 $0x1FFFF400, s21;
	[sflag:s19] =	ssyncset.done @!p1 $0x0  }
0x94: {  	[sflag:s19] =	ssyncadd.s32 @!p1 $0xFFFFE000;
	s19 =	sadd.s32 @!p1 s1, s21;
	s21 =	simm.s32 @!p1 $0xA400  }
0x95: {  	[hbm4b:s19+s17] =	stream.linear.scatter @!p1 [tilespmem:s21], [sflag:$0x16], $0x2000, $0x38;
	[tilespmem:$0x104C0] =	vst v63  }
0x96: {  	s19 =	sadd.s32 @!p1 s15, s24;
	s21 =	simm.s32 @!p1 $0x280  }
0x97: {  	[tilespmem:s21], [sflag:$0x6] =	stream.linear.gather @!p1 [hbm4b:s19+s17], $0x80, $0x38;
	[tilespmem:$0x104C0] =	vst v63  }
0x98: {  	s19 =	simm.s32 @!p1 $0x13  }
0x99: {  	_ =	swait.ge @!p1 [sflag:s19], $0x2000  }
0x9a: {  	[sflag:s19] =	ssyncset.done @!p1 $0x0  }
0x9b: {  	[sflag:s19] =	ssyncadd.s32 @!p1 $0xFFFFE000;
	s19 =	simm.s32 @!p1 $0x3  }
0x9c: {  	_ =	swait.ge @!p1 [sflag:s19], $0x80  }
0x9d: {  	[sflag:s19] =	ssyncset.done @!p1 $0x0  }
0x9e: {  	s21 =	simm.s32 @!p1 $0x4400;
	[sflag:s19] =	ssyncadd.s32 @!p1 $0xFFFFFF80;
	s19 =	simm.s32 @!p1 $0x100  }
0x9f: {  	[tilespmem:s21], [sflag:$0xB] =	stream.indirect.gather @!p1 [spmem:s3], $0x40, s19, s20, $0xb8;
	[tilespmem:$0x104C0] =	vst v63  }
0xa0: {  	s19 =	simm.s32 @!p1 $0xF  }
0xa1: {  	s20 =	sadd.s32 @!p1 $0x1FFFF800, s18;
	_ =	swait.ge @!p1 [sflag:s19], $0x2000  }
0xa2: {  	s20 =	sand.u32 @!p1 $0x1FFFF800, s20;
	[sflag:s19] =	ssyncset.done @!p1 $0x0  }
0xa3: {  	[sflag:s19] =	ssyncadd.s32 @!p1 $0xFFFFE000;
	s19 =	sadd.s32 @!p1 s1, s20;
	s20 =	simm.s32 @!p1 $0xC400  }
0xa4: {  	[hbm4b:s19+s17] =	stream.linear.scatter @!p1 [tilespmem:s20], [sflag:$0x17], $0x2000, $0x38;
	[tilespmem:$0x104C0] =	vst v63  }
0xa5: {  	s19 =	sadd.s32 @!p1 s15, s23;
	s20 =	simm.s32 @!p1 $0x300  }
0xa6: {  	[tilespmem:s20], [sflag:$0x7] =	stream.linear.gather @!p1 [hbm4b:s19+s17], $0x80, $0x38;
	[tilespmem:$0x104C0] =	vst v63  }
0xa7: {  	s19 =	simm.s32 @!p1 $0x14  }
0xa8: {  	_ =	swait.ge @!p1 [sflag:s19], $0x2000  }
0xa9: {  	[sflag:s19] =	ssyncset.done @!p1 $0x0  }
0xaa: {  	[sflag:s19] =	ssyncadd.s32 @!p1 $0xFFFFE000  }
0xab: {  	_ =	swait.ge [sflag:s26], $0x80  }
0xac: {  	[sflag:s26] =	ssyncset.done $0x0  }
0xad: {  	s19 =	simm.s32 @!p1 $0x10;
	[sflag:s26] =	ssyncadd.s32 $0xFFFFFF80  }
0xae: {  	[tilespmem:s28], [sflag:$0xC] =	stream.indirect.gather [spmem:s3], $0x40, s5, s0, $0xb8;
	[tilespmem:$0x104C0] =	vst v63  }
0xaf: {  	s18 =	sadd.s32 @!p1 $0x1FFFFC00, s18;
	_ =	swait.ge @!p1 [sflag:s19], $0x2000  }
0xb0: {  	s18 =	sand.u32 @!p1 $0x1FFFFC00, s18;
	[sflag:s19] =	ssyncset.done @!p1 $0x0  }
0xb1: {  	s18 =	sadd.s32 @!p1 s1, s18;
	[sflag:s19] =	ssyncadd.s32 @!p1 $0xFFFFE000;
	s19 =	simm.s32 @!p1 $0xE400  }
0xb2: {  	[hbm4b:s18+s17] =	stream.linear.scatter @!p1 [tilespmem:s19], [sflag:$0x18], $0x2000, $0x38;
	[tilespmem:$0x104C0] =	vst v63  }
0xb3: {  	s18 =	rddreg [dreg:$0x15]  }
0xb4: {  	s19 =	simm.s32 @!p1 $0x380;
	s18 =	sadd.s32 @!p1 s15, s18  }
0xb5: {  	[tilespmem:s19], [sflag:$0x8] =	stream.linear.gather @!p1 [hbm4b:s18+s17], $0x80, $0x38;
	[tilespmem:$0x104C0] =	vst v63  }
0xb6: {  	s17 =	simm.s32 @!p1 $0x15  }
0xb7: {  	_ =	swait.ge @!p1 [sflag:s17], $0x2000  }
0xb8: {  	[sflag:s17] =	ssyncset.done @!p1 $0x0  }
0xb9: {  	[sflag:s17] =	ssyncadd.s32 @!p1 $0xFFFFE000  }
0xba: {  	_ =	swait.ge [sflag:s29], $0x80  }
0xbb: {  	[sflag:s29] =	ssyncset.done $0x0  }
0xbc: {  	s22 =	simm.s32 $0x8400;
	s21 =	simm.s32 $0x200;
	[sflag:s29] =	ssyncadd.s32 $0xFFFFFF80  }
0xbd: {  	[tilespmem:s22], [sflag:$0xD] =	stream.indirect.gather [spmem:s3], $0x40, s21, s0, $0xb8;
	[tilespmem:$0x104C0] =	vst v63  }
0xbe: {  	_ =	swait.ge [sflag:s31], $0x2000  }
0xbf: {  	s20 =	simm.s32 $0x400;
	[sflag:s31] =	ssyncset.done $0x0;
	s19 =	rddreg [dreg:$0xd]  }
0xc0: {  	p1 =	seq.s32 s16, $0xC6000;
	[sflag:s31] =	ssyncadd.s32 $0xFFFFE000;
	s17 =	sadd.s32 s16, s19  }
0xc1: {  	[hbm4b:s17+s4] =	stream.linear.scatter [tilespmem:s20], [sflag:$0x11], $0x2000, $0x38;
	[tilespmem:$0x104C0] =	vst v63  }
0xc2: {  	p2 =	seq.s32 @!p1 s16, $0x0;
	s17 =	rddreg [dreg:$0x14]  }
0xc3: {  	p2 =	por p1, !p2;
	s18 =	sadd.s32 @!p1 s15, s17;
	s17 =	simm.s32 @!p1 $0x0  }
0xc4: {  	[tilespmem:s17], [sflag:$0x1] =	stream.linear.gather @!p1 [hbm4b:s18+s17], $0x80, $0x38;
	[tilespmem:$0x104C0] =	vst v63  }
0xc5: {  	_ =	swait.ge @p2 [sflag:s7], $0x2000  }
0xc6: {  	[sflag:s7] =	ssyncset.done @p2 $0x0  }
0xc7: {  	[sflag:s7] =	ssyncadd.s32 @p2 $0xFFFFE000  }
0xc8: {  	_ =	swait.ge [sflag:s6], $0x80  }
0xc9: {  	[sflag:s6] =	ssyncset.done $0x0  }
0xca: {  	s21 =	simm.s32 $0x280;
	s22 =	simm.s32 $0xA400;
	[sflag:s6] =	ssyncadd.s32 $0xFFFFFF80  }
0xcb: {  	[tilespmem:s22], [sflag:$0xE] =	stream.indirect.gather [spmem:s3], $0x40, s21, s0, $0xb8;
	[tilespmem:$0x104C0] =	vst v63  }
0xcc: {  	_ =	swait.ge [sflag:s8], $0x2000  }
0xcd: {  	[sflag:s8] =	ssyncset.done $0x0;
	s20 =	rddreg [dreg:$0x13]  }
0xce: {  	[sflag:s8] =	ssyncadd.s32 $0xFFFFE000;
	s18 =	sadd.s32 s16, s20  }
0xcf: {  	[hbm4b:s18+s4] =	stream.linear.scatter [tilespmem:s12], [sflag:$0x12], $0x2000, $0x38;
	[tilespmem:$0x104C0] =	vst v63  }
0xd0: {  	s18 =	rddreg [dreg:$0x12]  }
0xd1: {  	s19 =	simm.s32 @!p1 $0x80;
	s18 =	sadd.s32 @!p1 s15, s18  }
0xd2: {  	[tilespmem:s19], [sflag:$0x2] =	stream.linear.gather @!p1 [hbm4b:s18+s17], $0x80, $0x38;
	[tilespmem:$0x104C0] =	vst v63  }
0xd3: {  	_ =	swait.ge @p2 [sflag:s14], $0x2000  }
0xd4: {  	[sflag:s14] =	ssyncset.done @p2 $0x0  }
0xd5: {  	[sflag:s14] =	ssyncadd.s32 @p2 $0xFFFFE000  }
0xd6: {  	_ =	swait.ge [sflag:s2], $0x80  }
0xd7: {  	[sflag:s2] =	ssyncset.done $0x0  }
0xd8: {  	s21 =	simm.s32 $0x300;
	s22 =	simm.s32 $0xC400;
	[sflag:s2] =	ssyncadd.s32 $0xFFFFFF80  }
0xd9: {  	[tilespmem:s22], [sflag:$0xF] =	stream.indirect.gather [spmem:s3], $0x40, s21, s0, $0xb8;
	[tilespmem:$0x104C0] =	vst v63  }
0xda: {  	_ =	swait.ge [sflag:s10], $0x2000  }
0xdb: {  	[sflag:s10] =	ssyncset.done $0x0;
	s18 =	rddreg [dreg:$0x11]  }
0xdc: {  	s19 =	simm.s32 $0x4400;
	[sflag:s10] =	ssyncadd.s32 $0xFFFFE000;
	s17 =	sadd.s32 s16, s18  }
0xdd: {  	[hbm4b:s17+s4] =	stream.linear.scatter [tilespmem:s19], [sflag:$0x13], $0x2000, $0x38;
	[tilespmem:$0x104C0] =	vst v63  }
0xde: {  	s17 =	rddreg [dreg:$0x10]  }
0xdf: {  	s18 =	simm.s32 @!p1 $0x0;
	s19 =	simm.s32 @!p1 $0x100;
	s17 =	sadd.s32 @!p1 s15, s17  }
0xe0: {  	[tilespmem:s19], [sflag:$0x3] =	stream.linear.gather @!p1 [hbm4b:s17+s18], $0x80, $0x38;
	[tilespmem:$0x104C0] =	vst v63  }
0xe1: {  	_ =	swait.ge @p2 [sflag:s13], $0x2000  }
0xe2: {  	[sflag:s13] =	ssyncset.done @p2 $0x0  }
0xe3: {  	[sflag:s13] =	ssyncadd.s32 @p2 $0xFFFFE000  }
0xe4: {  	_ =	swait.ge [sflag:s30], $0x80  }
0xe5: {  	[sflag:s30] =	ssyncset.done $0x0  }
0xe6: {  	s20 =	simm.s32 $0x380;
	s21 =	simm.s32 $0xE400;
	[sflag:s30] =	ssyncadd.s32 $0xFFFFFF80  }
0xe7: {  	[tilespmem:s21], [sflag:$0x10] =	stream.indirect.gather [spmem:s3], $0x40, s20, s0, $0xb8;
	[tilespmem:$0x104C0] =	vst v63  }
.Ltmp2:
0xe8: {  	_ = 	snop;
	(pc) =	sbr.rel @p1 .LBB2_4-.Ltmp2, $4  }
0xe9: {  	_ =	swait.ge [sflag:s9], $0x2000  }
0xea: {  	[sflag:s9] =	ssyncset.done $0x0;
	s22 =	rddreg [dreg:$0xf]  }
0xeb: {  	[sflag:s9] =	ssyncadd.s32 $0xFFFFE000;
	s17 =	sadd.s32 s16, s22  }
0xec: {  	[hbm4b:s17+s4] =	stream.linear.scatter [tilespmem:s28], [sflag:$0x14], $0x2000, $0x38;
	[tilespmem:$0x104C0] =	vst v63  }
.Ltmp3:
0xed: {  	(pc) =	sbr.rel .LBB2_2-.Ltmp3, $4  }
0xee: {  	_ = 	snop  }
0xef: {  	s17 =	rddreg [dreg:$0xe]  }
0xf0: {  	s16 =	sadd.s32 $0x2000, s16;
	s17 =	sadd.s32 s15, s17;
	s15 =	sadd.s32 $0x80, s15  }
0xf1: {  	[tilespmem:s5], [sflag:$0x4] =	stream.linear.gather [hbm4b:s17+s4], $0x80, $0x38;
	[tilespmem:$0x104C0] =	vst v63  }
.LBB2_5:
0xf2: {  	_ =	sfence.sel $0x180000  }
0xf3: {  	[bflag:$0x0] =	sbarrier.arrive $0xFFFF  }
0xf4: {  	_ =	strace $0x90000047  }
0xf5: {  	[bflag:$0x2] =	sbarrier.arrive $0xFFFF  }
0xf6: {  	s0 =	rddreg [dreg:$0x4]  }
0xf7: {  	s0 =	sadd.s32 @!p0 $0x100000, s0  }
0xf8: {  	[sflag:s0] =	ssyncadd.tile.s32 @!p0 $0x1;
	_ =	shalt  }
.Lfunc_end2:
_tile_overlayer_lowered:
.L_overlay_start_2:
0xf9: {  	(tag) =	ssettag $0x2  }
0xfa: {  	s0 =	rddreg [dreg:$0x0];
	s2 =	stileid.u32  }
0xfb: {  	s1 =	rddreg [dreg:$0x1];
	p0 =	sne.s32 s2, $0x0  }
0xfc: {  	s3 =	rddreg [dreg:$0x2];
	[bflag:$0x3] =	sbarrier.arrive $0xFFFF;
	s2 =	simm.s32 @!p0 $0x1C19  }
0xfd: {  	[timem:s3], [sflag:s2] =	dma.local @!p0 [hbm:s0], s1  }
0xfe: {  	s0 =	simm.s32 @!p0 $0x19  }
0xff: {  	_ =	swait.ge @!p0 [sflag:s0], s1  }
0x100: {  	s1 =	ssub.s32 @!p0 $0x0, s1;
	[sflag:s0] =	ssyncset.done @!p0 $0x0  }
0x101: {  	[sflag:s0] =	ssyncadd.s32 @!p0 s1  }
0x102: {  	[bflag:$0x3] =	sbarrier.arrive $0xFFFF  }
0x103: {  	_ =	shalt  }

// kernel: sparse-core-data-format-call.cloned.1.call-start
scs
called_computation_lowered:
.L_overlay_start_0:
0x0: {  	s2 =	sld [smem:$0x3FD9]  }
0x1: {  	s3 =	sld [smem:$0x3FFE];
	_ =	sdelay $0x1  }
0x2: {  	s1 =	srdreg.scid  }
0x3: {  	s0 =	sand.u32 $0x1, s1  }
0x4: {  	s18 =	sshll.u32 s0, $0xA;
	s2 =	sadd.s32 s3, s2  }
0x5: {  	s2 =	sadd.s32 s2, s18  }
0x6: {  	[smem:$0x3FC6] =	sst s2  }
0x7: {  	_ = 	snop  }
0x8: {  	s2 =	sld [smem:$0x3FD0];
	(tm) =	ssettm $0x1  }
0x9: {  	s19 =	sld [smem:$0x3FFB];
	_ =	sdelay $0x3  }
0xa: {  	_ =	strace s19  }
0xb: {  	s3 =	sld [smem:$0x3FFC];
	_ =	sdelay $0x3  }
0xc: {  	_ =	strace s3  }
0xd: {  	s3 =	sld [smem:$0x3FFD];
	_ =	sdelay $0x3  }
0xe: {  	_ =	strace s3  }
0xf: {  	_ =	strace $0x8FFFFFFF  }
0x10: {  	s20 =	sld [smem:$0x3FDB];
	_ =	sdelay $0x1  }
0x11: {  	s4 =	simm.s32 $_scs_section_size  }
0x12: {  	s5 =	simm.s32 $_size__tile_overlayer_lowered;
	s6 =	simm.s32 $_tile_overlayer_lowered  }
0x13: {  	s23 =	simm.s32 $0x1BFF;
	s22 =	sshll.u32 s6, $0x1;
	s3 =	sadd.s32 s4, s20  }
0x14: {  	s7 =	simm.s32 $0x0;
	s21 =	sshll.u32 s5, $0x1;
	s5 =	sadd.s32 s22, s3  }
0x15: {  	[timem:s7], [sflag:s23] =	dma.local [hbm:s5], s21  }
0x16: {  	_ =	swait.ge [sflag:s23], s21  }
0x17: {  	s4 =	ssub.s32 $0x0, s21;
	[sflag:s23] =	ssyncset.done $0x0  }
0x18: {  	[sflag:s23] =	ssyncadd.s32 s4;
	_ =	sdelay $0x1  }
0x19: {  	s24 =	simm.s32 $0x1B8B  }
0x1a: {  	_ =	swait.ge [sflag:s24], $0x1  }
0x1b: {  	[sflag:s24] =	ssyncset.done $0x0  }
0x1c: {  	s26 =	simm.s32 $0x1B8E;
	s25 =	sld [smem:$0x3FFE];
	[sflag:s24] =	ssyncadd.s32 $0xFFFFFFFF  }
0x1d: {  	s27 =	simm.s32 $execute0_lowered;
	[smem:$0x3FD2] =	sst s26  }
0x1e: {  	s5 =	sshll.u32 s27, $0x1;
	_ =	strace $0x80000049;
	[dreg:$0x1] =	wrdreg $0xFFFFFFFF  }
0x1f: {  	s28 =	simm.s32 $_size_execute0_lowered;
	s3 =	sadd.s32 s3, s5;
	[dreg:$0x0] =	wrdreg $0x0  }
0x20: {  	s5 =	sshll.u32 s28, $0x1;
	[dreg:$0x2] =	wrdreg s3  }
0x21: {  	[dreg:$0x3] =	wrdreg s5  }
0x22: {  	[dreg:$0x4] =	wrdreg $0xC0  }
0x23: {  	_ =	task [dreg:s7], $0x5FFFF  }
0x24: {  	[dreg:$0x1] =	wrdreg $0xFFFFFFFF  }
0x25: {  	[dreg:$0x0] =	wrdreg $0x60  }
0x26: {  	[dreg:$0x2] =	wrdreg s25  }
0x27: {  	[dreg:$0x3] =	wrdreg s2  }
0x28: {  	[dreg:$0x4] =	wrdreg $0x9  }
0x29: {  	_ =	task.clear_ibuf [dreg:s7], $0x5FFFF;
	_ =	strace $0x90000049  }
0x2a: {  	s29 =	simm.s32 $0x9;
	_ =	strace $0x8000004B  }
0x2b: {  	_ =	swait.ge [sflag:s29], $0x1  }
0x2c: {  	[sflag:s29] =	ssyncadd.s32 $0xFFFFFFFF  }
0x2d: {  	_ =	strace $0x9000004B  }
0x2e: {  	_ =	sfence  }
0x2f: {  	s30 =	sld [smem:$0x0];
	_ =	sdelay $0x2  }
0x30: {  	s31 =	sshll.u32 s1, $0xD;
	s1 =	sshrl.u32 s1, $0x2  }
0x31: {  	s3 =	sand.u32 $0x4000, s31;
	s1 =	sadd.s32 s1, s30  }
0x32: {  	s0 =	sor.u32 s3, s0;
	s1 =	sshll.u32 s1, $0x11  }
0x33: {  	s0 =	sor.u32 s1, s0  }
0x34: {  	s0 =	sadd.s32 $0x8F2B, s0  }
0x35: {  	[sflag:s0] =	ssyncadd.remote.s32 $0x1  }
0x36: {  	_ =	sfence.sel $0xFFFF  }
0x37: {  	[dreg:$0x0] =	wrdreg $0xFFFFFFFF;
	(pc) =	sbr.abs _section_cstart, $3  }
0x38: {  	[dreg:$0x1] =	wrdreg $0xFFFFFFFF  }
0x39: {  	_ =	task.clear_ibuf [dreg:s7], $0x2FFFF;
	_ =	strace $0x9FFFFFFF  }
0x3a: {  	(tm) =	ssettm $0x7FFFFFFF  }
0x3b: {  	_ =	shalt  }
tec
execute0_lowered:
.L_overlay_start_1:
0x0: {  	(tag) =	ssettag $0x1  }
0x1: {  	s0 =	srdreg.scid  }
0x2: {  	s1 =	sshll.u32 s0, $0x4  }
0x3: {  	s4 =	rddreg [dreg:$0x0];
	s0 =	stileid.u32;
	s1 =	sand.u32 $0x10, s1  }
0x4: {  	s2 =	rddreg [dreg:$0x1];
	s7 =	simm.s32 $0x1;
	s1 =	sor.u32 s0, s1  }
0x5: {  	s8 =	simm.s32 $0x2;
	s11 =	simm.s32 $0x0;
	s3 =	sshll.u32 s1, $0x7  }
0x6: {  	s10 =	simm.s32 $0x0;
	s4 =	sadd.s32 $0x800, s4;
	s6 =	ssub.s32 $0x320000, s3  }
.Ltmp0:
0x7: {  	s1 =	rddreg [dreg:$0x2];
	s5 =	sand.u32 $0xF80, s6;
	(pc) =	sbr.rel .LBB1_1-.Ltmp0, $4  }
0x8: {  	_ =	strace $0x8000004A;
	s9 =	smov.u32 s3;
	p0 =	sne.s32 s5, $0x0  }
0x9: {  	s6 =	sshrl.u32 s6, $0xC;
	s5 =	simm.s32 $0x1;
	s7 =	simm.s32 @!p0 $0x0  }
0xa: {  	[sflag:s5] =	ssyncpa.u1 $0x0;
	p0 =	por $0x0, $0x0;
	s6 =	sadd.s32 s7, s6  }
0xb: {  	[sflag:s8] =	ssyncpa.u1 $0x0;
	s8 =	simm.s32 $0x1900000;
	s7 =	sadd.s32 $0x1, s6  }
.LBB1_4:
0xc: {  	s14 =	sshll.u32 s11, $0x3  }
0xd: {  	s30 =	sand.u32 $0x7F, s11;
	s15 =	sand.u32 $0xFFFFFC00, s14  }
0xe: {  	s11 =	sor.u32 s30, s15  }
0xf: {  	s15 =	smulhi.u32 $0x51EB851F, s11  }
0x10: {  	s14 =	smulhi.u32 $0x51EB851F, s14  }
0x11: {  	s15 =	sshrl.u32 s15, $0x14  }
0x12: {  	s14 =	sshrl.u32 s14, $0x14;
	s15 =	smul.u32 $0x320000, s15  }
0x13: {  	s14 =	sand.u32 $0x3F, s14  }
0x14: {  	s14 =	smul.u32 $0x64000, s14;
	s11 =	ssub.s32 s11, s15  }
0x15: {  	[tilespmem:s13+$0x810 ss:$0x81] =	vst.msk $0xffff, v2;
	s15 =	sand.u32 $0x7, s11  }
0x16: {  	[tilespmem:s13+$0x1020 ss:$0x81] =	vst.msk $0xffff, v0;
	s14 =	sadd.s32 s2, s14;
	s11 =	sshrl.u32 s11, $0x3;
	s15 =	sshll.u32 s15, $0x12  }
0x17: {  	[tilespmem:s13+$0x0 ss:$0x81] =	vst.msk $0xffff, v1;
	s11 =	sadd.s32 s11, s14;
	s31 =	sor.u32 $0x400, s15  }
0x18: {  	[hbm4b:s11+s31] =	stream.strided.scatter [tilespmem:s12], [sflag:$0x2], $0x2000, s8, s31, $0x20;
	[tilespmem:$0x8080] =	vst v63  }
.LBB1_5:
0x19: {  	s13 =	sadd.s32 $0x1000, s9  }
0x1a: {  	p2 =	sgt.s32 s13, $0x31FFFF  }
0x1b: {  	s13 =	smov.u32 @p2 s3;
	p2 =	sne.s32 s10, s7  }
.Ltmp1:
0x1c: {  	p1 =	slt.u32 s10, $0x2;
	(pc) =	sbr.rel @!p2 .LBB1_6-.Ltmp1, $4  }
0x1d: {  	s12 =	simm.s32 @!p1 $0x2  }
0x1e: {  	s14 =	sadd.s32 $0x1, s10;
	_ =	swait.ge @!p1 [sflag:s12], $0x2000  }
0x1f: {  	s11 =	smov.u32 s9;
	p0 =	por !p0, !p0;
	[sflag:s12] =	ssyncset.done @!p1 $0x0  }
0x20: {  	s10 =	smov.u32 s14;
	s9 =	smov.u32 s13;
	[sflag:s12] =	ssyncadd.s32 @!p1 $0xFFFFE000  }
.LBB1_1:
0x21: {  	p1 =	sge.u32 s10, s6  }
0x22: {  	s12 =	sand.u32 @!p1 $0x1FFFFFF, s9  }
0x23: {  	s13 =	smulhi.u32 @!p1 $0x147AE15, s12;
	_ =	sdelay $0x1  }
0x24: {  	s13 =	sshrl.u32 @!p1 s13, $0xE  }
0x25: {  	s13 =	smul.u32 @!p1 $0x320000, s13;
	_ =	sdelay $0x1  }
0x26: {  	s31 =	sadd.s32 $0xFFFFFFFF, s10;
	s14 =	sxor.u32 @!p1 $0xFFFFFFFF, s10;
	s12 =	ssub.s32 @!p1 s12, s13  }
0x27: {  	s15 =	simm.s32 @!p1 $0x80;
	s14 =	sshll.u32 @!p1 s14, $0xD;
	s12 =	sshll.u32 @!p1 s12, $0x4  }
0x28: {  	s13 =	sand.u32 @!p1 $0x2000, s14;
	s14 =	simm.s32 @!p1 $0x40;
	s12 =	sadd.s32 @!p1 s4, s12  }
0x29: {  	[tilespmem:s13], [sflag:$0x1] =	stream.strided.gather @!p1 [hbm4b:s12+s14], $0x2000, s15, s14, $0x38;
	[tilespmem:$0x8080] =	vst v63  }
0x2a: {  	p1 =	sge.u32 s31, s6  }
.Ltmp2:
0x2b: {  	_ = 	snop;
	(pc) =	sbr.rel @p1 .LBB1_5-.Ltmp2, $1  }
0x2c: {  	_ =	sdelay $0x3  }
0x2d: {  	s12 =	simm.s32 $0x1  }
0x2e: {  	_ =	swait.ge [sflag:s5], $0x2000;
	s12 =	simm.s32 @!p0 $0x0  }
0x2f: {  	[sflag:s5] =	ssyncset.done $0x0;
	s13 =	sshll.u32 s12, $0xD  }
0x30: {  	[sflag:s5] =	ssyncadd.s32 $0xFFFFE000;
	s16 =	sor.u32 $0x20, s13  }
0x31: {  	s12 =	smul.u32 $0x8100, s12;
	v3 =	vld [tilespmem:s16+$0x10]  }
0x32: {  	s30 =	sand.u32 $0x1, s10;
	v2 =	vld [tilespmem:s16+$0xFFFFFFF0]  }
0x33: {  	s13 =	smul.u32 $0x8100, s30;
	s12 =	sshrl.u32 s12, $0x2;
	v0 =	vld [tilespmem:s16+$0x0]  }
0x34: {  	v1 =	vld [tilespmem:s16+$0xFFFFFFE0];
	s14 =	sor.u32 $0x4000, s12  }
0x35: {  	s31 =	sshrl.u32 s13, $0x2;
	s13 =	sadd.s32 $0x0, s14  }
0x36: {  	s15 =	simm.s32 $0x4;
	s16 =	sadd.s32 $0x40, s16;
	s12 =	sor.u32 $0x4000, s31;
	[tilespmem:s13+$0x1830 ss:$0x81] =	vst.msk $0xffff, v3  }
.LBB1_3:
0x37: {  	v3 =	vld [tilespmem:s16+$0x10];
	p1 =	sne.s32 s15, $0x1FC;
	[tilespmem:s13+$0x810 ss:$0x81] =	vst.msk $0xffff, v2;
	s17 =	smov.u32 s15;
	s15 =	sadd.s32 $0x4, s15  }
.Ltmp3:
0x38: {  	v2 =	vld [tilespmem:s16+$0xFFFFFFF0];
	[tilespmem:s13+$0x1020 ss:$0x81] =	vst.msk $0xffff, v0;
	(pc) =	sbr.rel @p1 .LBB1_3-.Ltmp3, $4  }
0x39: {  	v0 =	vld [tilespmem:s16+$0x0];
	[tilespmem:s13+$0x0 ss:$0x81] =	vst.msk $0xffff, v1  }
0x3a: {  	s13 =	sshra.s32 s17, $0x2;
	v1 =	vld [tilespmem:s16+$0xFFFFFFE0]  }
0x3b: {  	s13 =	sadd.s32 s13, s14  }
0x3c: {  	s16 =	sadd.s32 $0x40, s16;
	[tilespmem:s13+$0x1830 ss:$0x81] =	vst.msk $0xffff, v3  }
.Ltmp4:
0x3d: {  	_ = 	snop;
	(pc) =	sbr.rel .LBB1_4-.Ltmp4, $1  }
0x3e: {  	_ =	sdelay $0x3  }
.LBB1_6:
0x3f: {  	_ =	sfence.sel $0x180000  }
0x40: {  	s2 =	simm.s32 $0x1;
	[bflag:$0x0] =	sbarrier.arrive $0xFFFF  }
0x41: {  	s31 =	simm.s32 $0x2;
	[sflag:s2] =	ssyncpa.u1 $0x1  }
0x42: {  	[sflag:s31] =	ssyncpa.u1 $0x1  }
0x43: {  	p0 =	sne.s32 s0, $0x0;
	_ =	strace $0x9000004A  }
0x44: {  	s0 =	sadd.s32 @!p0 $0x100000, s1;
	[bflag:$0x2] =	sbarrier.arrive $0xFFFF  }
0x45: {  	[sflag:s0] =	ssyncadd.tile.s32 @!p0 $0x1;
	_ =	shalt  }
.Lfunc_end1:
_tile_overlayer_lowered:
.L_overlay_start_2:
0x46: {  	(tag) =	ssettag $0x2  }
0x47: {  	s0 =	rddreg [dreg:$0x0];
	s2 =	stileid.u32  }
0x48: {  	s1 =	rddreg [dreg:$0x1];
	p0 =	sne.s32 s2, $0x0  }
0x49: {  	s3 =	rddreg [dreg:$0x2];
	[bflag:$0x3] =	sbarrier.arrive $0xFFFF;
	s2 =	simm.s32 @!p0 $0x1C01  }
0x4a: {  	[timem:s3], [sflag:s2] =	dma.local @!p0 [hbm:s0], s1  }
0x4b: {  	s0 =	simm.s32 @!p0 $0x1  }
0x4c: {  	_ =	swait.ge @!p0 [sflag:s0], s1  }
0x4d: {  	s1 =	ssub.s32 @!p0 $0x0, s1;
	[sflag:s0] =	ssyncset.done @!p0 $0x0  }
0x4e: {  	[sflag:s0] =	ssyncadd.s32 @!p0 s1  }
0x4f: {  	[bflag:$0x3] =	sbarrier.arrive $0xFFFF  }
0x50: {  	_ =	shalt  }

</sc_bundles>
